<compile_context>
chip_gen: v7x
topology: tpu7x:2x2x1
jax: 0.10.2.dev20260603
libtpu: 0.0.44.dev20260713+nightly
codegen_flags: <defaults>
</compile_context>

<pallas_src>
import functools

import jax
import jax.numpy as jnp
from jax import lax
from jax.experimental import pallas as pl
from jax.experimental.pallas import tpu as pltpu
from jax.experimental.pallas import tpu_sc as plsc

NPTS = 10000
NPAD = 10240
NSAMP = 5000
NSPAD = 5120
RAD2 = 0.25 * 0.25
KNB = 10
HID = 64
OCH = 128
QBLK = 256
CBLK = 512


def _fps_body(p3_ref, ps_ref, idx_ref, d_ref):
    px = p3_ref[0]
    py = p3_ref[1]
    pz = p3_ref[2]
    rows = lax.broadcasted_iota(jnp.int32, (8, 1280), 0)
    cols = lax.broadcasted_iota(jnp.int32, (8, 1280), 1)
    fidx = rows * 1280 + cols
    inb = fidx < NPTS

    x0 = ps_ref[0, 0]
    y0 = ps_ref[1, 0]
    z0 = ps_ref[2, 0]
    dx = px - x0
    dy = py - y0
    dz = pz - z0
    d0 = (dx * dx + dy * dy) + dz * dz
    idx_ref[0] = jnp.int32(0)

    def body(i, d):
        m = jnp.max(d, axis=0, keepdims=True)
        m = jnp.max(m, axis=1, keepdims=True)
        eq = d == m
        key = jnp.where(eq, fidx, jnp.int32(NPAD))
        nk = jnp.min(key, axis=0, keepdims=True)
        nxt = jnp.min(nk, axis=1, keepdims=True)[0, 0]
        xs = ps_ref[0, nxt]
        ys = ps_ref[1, nxt]
        zs = ps_ref[2, nxt]
        ddx = px - xs
        ddy = py - ys
        ddz = pz - zs
        nd = (ddx * ddx + ddy * ddy) + ddz * ddz
        idx_ref[i] = nxt
        return jnp.minimum(d, nd)

    d_ref[...] = lax.fori_loop(1, NSAMP, body,
                               jnp.where(inb, d0, -jnp.inf), unroll=8)


def _fps(pos):
    p = jnp.zeros((3, NPAD), jnp.float32).at[:, :NPTS].set(pos.T)
    p3 = p.reshape(3, 8, 1280)
    idx = pl.pallas_call(
        _fps_body,
        out_shape=jax.ShapeDtypeStruct((NSAMP,), jnp.int32),
        in_specs=[pl.BlockSpec(memory_space=pltpu.VMEM),
                  pl.BlockSpec(memory_space=pltpu.SMEM)],
        out_specs=pl.BlockSpec(memory_space=pltpu.SMEM),
        scratch_shapes=[pltpu.VMEM((8, 1280), jnp.float32)],
    )(p3, p)
    return idx


def _knn_body(qp_ref, pt_ref, cols_ref, ev_ref, d2_ref):
    qp = qp_ref[...][:, :16]
    pt = pt_ref[...]
    q2 = jnp.sum(qp * qp, axis=1, keepdims=True)
    p2 = jnp.sum(pt * pt, axis=0, keepdims=True)
    dot = jnp.dot(qp, pt, preferred_element_type=jnp.float32)
    d2 = q2 + p2 - 2.0 * dot
    cidx = lax.broadcasted_iota(jnp.int32, (QBLK, NPAD), 1)
    valid = (d2 <= RAD2) & (cidx < NPTS)
    d2_ref[...] = jnp.where(valid, d2, jnp.inf)

    for k in range(KNB):
        d2m = d2_ref[...]
        mn = jnp.min(d2m, axis=1, keepdims=True)
        eq = d2m == mn
        c = jnp.min(jnp.where(eq, cidx, jnp.int32(NPAD)), axis=1,
                    keepdims=True)
        cols_ref[:, k:k + 1] = c
        ev_ref[:, k:k + 1] = (mn < jnp.inf).astype(jnp.int32)
        d2_ref[...] = jnp.where(cidx == c, jnp.inf, d2m)


def _knn(qpos16, post16):
    grid = NSPAD // QBLK
    cols, ev = pl.pallas_call(
        _knn_body,
        grid=(grid,),
        in_specs=[
            pl.BlockSpec((QBLK, 128), lambda b: (b, 0)),
            pl.BlockSpec((16, NPAD), lambda b: (0, 0)),
        ],
        out_specs=[
            pl.BlockSpec((QBLK, 16), lambda b: (b, 0)),
            pl.BlockSpec((QBLK, 16), lambda b: (b, 0)),
        ],
        out_shape=[
            jax.ShapeDtypeStruct((NSPAD, 16), jnp.int32),
            jax.ShapeDtypeStruct((NSPAD, 16), jnp.int32),
        ],
        scratch_shapes=[pltpu.VMEM((QBLK, NPAD), jnp.float32)],
    )(qpos16, post16)
    return cols, ev


def _sc_gather(table, idx):
    B = idx.shape[0]
    bpw = B // 32
    nchunks = max(1, bpw // 400)
    csz = bpw // nchunks
    mesh = plsc.VectorSubcoreMesh(core_axis_name="c", subcore_axis_name="s")

    @functools.partial(
        pl.kernel, mesh=mesh,
        out_type=jax.ShapeDtypeStruct((B, 128), jnp.float32),
        scratch_types=[
            pltpu.VMEM((bpw,), jnp.int32),
            pltpu.VMEM((csz, 128), jnp.float32),
            pltpu.SemaphoreType.DMA,
        ],
    )
    def k(table_hbm, idx_hbm, out_hbm, idx_v, rows_v, sem):
        wid = lax.axis_index("s") * 2 + lax.axis_index("c")
        base = wid * bpw
        pltpu.sync_copy(idx_hbm.at[pl.ds(base, bpw)], idx_v)
        for c in range(nchunks):
            pltpu.async_copy(table_hbm.at[idx_v.at[pl.ds(c * csz, csz)]],
                             rows_v, sem).wait()
            pltpu.sync_copy(rows_v, out_hbm.at[pl.ds(base + c * csz, csz)])

    return k(table, idx)


def _conv_body(qp_ref, pc_ref, ev_ref,
               pw0_ref, pb0_ref, pw1_ref, pb1_ref, aw0_ref, ab0_ref,
               lw_ref, lsw_ref, ldw_ref, out_ref):
    qp = qp_ref[...]
    pw0 = pw0_ref[...]
    pb0 = pb0_ref[...]
    pw1 = pw1_ref[...]
    pb1 = pb1_ref[...]
    aw0 = aw0_ref[...]
    ab0 = ab0_ref[...]
    lw = lw_ref[...]
    lsw = lsw_ref[...]
    ldw = ldw_ref[...]

    adst = jnp.dot(qp, ldw, preferred_element_type=jnp.float32)

    alphas = []
    deltas = []
    xvs = []
    amax = None
    for j in range(KNB):
        pc = pc_ref[j][:, :16]
        asrc = jnp.dot(pc, lsw, preferred_element_type=jnp.float32)
        rel = qp - pc
        h = jnp.maximum(
            jnp.dot(rel, pw0, preferred_element_type=jnp.float32) + pb0, 0.0)
        delta = jnp.dot(h, pw1, preferred_element_type=jnp.float32) + pb1
        a = jnp.dot(adst - asrc + delta, aw0,
                    preferred_element_type=jnp.float32) + ab0
        evj = ev_ref[:, j:j + 1] > 0
        a = jnp.where(evj, a, -1e30)
        xv = jnp.dot(pc, lw, preferred_element_type=jnp.float32)
        alphas.append(a)
        deltas.append(delta)
        xvs.append(xv)
        amax = a if amax is None else jnp.maximum(amax, a)

    amax = jnp.where(amax > -1e29, amax, 0.0)
    den = jnp.zeros_like(amax)
    acc = jnp.zeros_like(amax)
    for j in range(KNB):
        ex = jnp.exp(alphas[j] - amax)
        den = den + ex
        acc = acc + ex * (xvs[j] + deltas[j])
    out_ref[...] = acc / jnp.maximum(den, 1e-16)


def _conv(qpos16, posc, ev, pw0p, pb0, pw1, pb1, aw0, ab0, lwp, lswp, ldwp):
    grid = NSPAD // CBLK
    out = pl.pallas_call(
        _conv_body,
        grid=(grid,),
        in_specs=[
            pl.BlockSpec((CBLK, 16), lambda b: (b, 0)),
            pl.BlockSpec((KNB, CBLK, 128), lambda b: (0, b, 0)),
            pl.BlockSpec((CBLK, 16), lambda b: (b, 0)),
            pl.BlockSpec((16, HID), lambda b: (0, 0)),
            pl.BlockSpec((1, HID), lambda b: (0, 0)),
            pl.BlockSpec((HID, OCH), lambda b: (0, 0)),
            pl.BlockSpec((1, OCH), lambda b: (0, 0)),
            pl.BlockSpec((OCH, OCH), lambda b: (0, 0)),
            pl.BlockSpec((1, OCH), lambda b: (0, 0)),
            pl.BlockSpec((16, OCH), lambda b: (0, 0)),
            pl.BlockSpec((16, OCH), lambda b: (0, 0)),
            pl.BlockSpec((16, OCH), lambda b: (0, 0)),
        ],
        out_specs=pl.BlockSpec((CBLK, OCH), lambda b: (b, 0)),
        out_shape=jax.ShapeDtypeStruct((NSPAD, OCH), jnp.float32),
    )(qpos16, posc, ev, pw0p, pb0, pw1, pb1, aw0, ab0, lwp, lswp, ldwp)
    return out


def kernel(pos, batch, pw0, pb0, pw1, pb1, aw0, ab0, lin_w, lin_src_w,
           lin_dst_w):
    pos = pos.astype(jnp.float32)

    idx = _fps(pos)

    pos128 = jnp.zeros((NPAD, 128), jnp.float32).at[:NPTS, :3].set(pos)
    post16 = jnp.zeros((16, NPAD), jnp.float32).at[:3, :NPTS].set(pos.T)
    idx_pad = jnp.zeros((NSPAD,), jnp.int32).at[:NSAMP].set(idx)
    qpos16 = _sc_gather(pos128, idx_pad)
    cols16, ev16 = _knn(qpos16, post16)

    cols_jq = cols16[:, :KNB].T.reshape(-1)
    posc = _sc_gather(pos128, cols_jq).reshape(KNB, NSPAD, 128)

    qp_conv = jnp.zeros((NSPAD, 16), jnp.float32).at[:, :3].set(pos[:NSPAD])
    pw0p = jnp.zeros((16, HID), jnp.float32).at[:3].set(pw0)
    lwp = jnp.zeros((16, OCH), jnp.float32).at[:3].set(lin_w)
    lswp = jnp.zeros((16, OCH), jnp.float32).at[:3].set(lin_src_w)
    ldwp = jnp.zeros((16, OCH), jnp.float32).at[:3].set(lin_dst_w)
    res = _conv(qp_conv, posc, ev16, pw0p, pb0[None, :], pw1, pb1[None, :],
                aw0, ab0[None, :], lwp, lswp, ldwp)

    out = jnp.zeros((NPTS, OCH), jnp.float32).at[:NSAMP].set(res[:NSAMP])
    return out

# --- scband reference (transcript-rebuilt; emitter-appended) ---
"""Pipeline reference for scband-point-transformer-module-1305670058591 (READ-ONLY COPY).

The authoritative reference and input builder live on the scoring server;
editing this copy changes nothing except your own understanding.
"""

import jax, jax.numpy as jnp
import numpy as np

N = 10000
FPS_RATIO = 0.5
RADIUS = 0.25
MAX_NBRS = 10
IN_CH = 3
OUT_CH = 128
HID = 64


def setup_inputs(seed: int = 0) -> dict:
    key = jax.random.key(seed)
    ks = jax.random.split(key, 12)
    pos = jax.random.uniform(ks[0], (N, IN_CH), dtype=jnp.float32)  # unit cube so radius=0.25 finds neighbors
    batch = jnp.zeros((N,), dtype=jnp.int32)
    def lin(k, fi, fo):
        return jax.random.normal(k, (fi, fo), jnp.float32) * (1.0 / np.sqrt(fi))
    return {
        'pos': pos,
        'batch': batch,
        'pw0': lin(ks[1], IN_CH, HID), 'pb0': jnp.zeros((HID,), jnp.float32),
        'pw1': lin(ks[2], HID, OUT_CH), 'pb1': jnp.zeros((OUT_CH,), jnp.float32),
        'aw0': lin(ks[3], OUT_CH, OUT_CH), 'ab0': jnp.zeros((OUT_CH,), jnp.float32),
        'lin_w': lin(ks[4], IN_CH, OUT_CH),
        'lin_src_w': lin(ks[5], IN_CH, OUT_CH),
        'lin_dst_w': lin(ks[6], IN_CH, OUT_CH),
    }


def fps_idx(pos, n_sample):
    # farthest point sampling, deterministic start at node 0 (single batch)
    d0 = jnp.sum((pos - pos[0]) ** 2, axis=-1)
    idx0 = jnp.zeros((n_sample,), jnp.int32)

    def body(i, carry):
        idx, dists = carry
        nxt = jnp.argmax(dists).astype(jnp.int32)
        ndist = jnp.sum((pos - pos[nxt]) ** 2, axis=-1)
        return idx.at[i].set(nxt), jnp.minimum(dists, ndist)

    idx, _ = jax.lax.fori_loop(1, n_sample, body, (idx0, d0))
    return idx


def radius_neighbors(pos, qpos, batch, qbatch, r, k):
    # for each query (cluster center), up to k nearest points within radius r
    q2 = jnp.sum(qpos ** 2, axis=-1)[:, None]
    p2 = jnp.sum(pos ** 2, axis=-1)[None, :]
    d2 = q2 + p2 - 2.0 * (qpos @ pos.T)
    valid = (d2 <= r * r) & (qbatch[:, None] == batch[None, :])
    d2m = jnp.where(valid, d2, jnp.inf)
    negd, cols = jax.lax.top_k(-d2m, k)
    edge_valid = negd > -jnp.inf
    rows = jnp.broadcast_to(jnp.arange(qpos.shape[0], dtype=jnp.int32)[:, None], cols.shape)
    return rows.reshape(-1), cols.reshape(-1).astype(jnp.int32), edge_valid.reshape(-1)


def point_transformer_conv(pos, src, dst, evalid, pw0, pb0, pw1, pb1, aw0, ab0, lin_w, lin_src_w, lin_dst_w):
    x_val = pos @ lin_w          # lin(x_src)
    a_src = pos @ lin_src_w      # alpha_j source
    a_dst = pos @ lin_dst_w      # alpha_i target
    rel = pos[dst] - pos[src]    # pos_i - pos_j
    h = jax.nn.relu(rel @ pw0 + pb0)
    delta = h @ pw1 + pb1        # pos_nn
    alpha = a_dst[dst] - a_src[src] + delta
    alpha = alpha @ aw0 + ab0    # attn_nn
    alpha = jnp.where(evalid[:, None], alpha, -1e30)
    amax = jax.ops.segment_max(alpha, dst, num_segments=N)
    amax = jnp.where(amax > -1e29, amax, 0.0)
    ex = jnp.exp(alpha - amax[dst])
    denom = jax.ops.segment_sum(ex, dst, num_segments=N)
    w = ex / jnp.maximum(denom[dst], 1e-16)
    msg = w * (x_val[src] + delta)
    return jax.ops.segment_sum(msg, dst, num_segments=N)


def reference(pos, batch, pw0, pb0, pw1, pb1, aw0, ab0, lin_w, lin_src_w, lin_dst_w):
    n_sample = int(N * FPS_RATIO)
    idx = fps_idx(pos, n_sample)
    rows, cols, evalid = radius_neighbors(pos, pos[idx], batch, batch[idx], RADIUS, MAX_NBRS)
    # edge_index = stack([col, row]) -> src = col (all points), dst = row (cluster ids)
    src, dst = cols, rows
    return point_transformer_conv(pos, src, dst, evalid, pw0, pb0, pw1, pb1, aw0, ab0, lin_w, lin_src_w, lin_dst_w)

if __name__ == "__main__":
    import jax
    _d = setup_inputs()
    print(jax.jit(kernel)(*tuple(_d.values())))

</pallas_src>

<mosaic_0001>
#map = affine_map<(d0, d1) -> (0, 0)>
#map1 = affine_map<(d0, d1) -> (0)>
module attributes {stable_mosaic.version = 14 : i64} {
  func.func @k(%arg0: i32, %arg1: i32, %arg2: memref<10240x128xf32, #tpu.memory_space<hbm>>, %arg3: memref<51200xi32, #tpu.memory_space<hbm>>, %arg4: memref<51200x128xf32, #tpu.memory_space<hbm>>, %arg5: memref<1600xi32, #tpu.memory_space<vmem>>, %arg6: memref<400x128xf32, #tpu.memory_space<vmem>>, %arg7: memref<!tpu.dma_semaphore, #tpu.memory_space<semaphore_mem>>) attributes {dimension_semantics = [#tpu.dimension_semantics<core_parallel>, #tpu.dimension_semantics<subcore_parallel>], iteration_bounds = array<i64: 2, 16>, scalar_prefetch = 0 : i64, scratch_operands = 3 : i64, tpu.core_type = #tpu.core_type<sc_vector_subcore>, window_params = [{transform_indices = #map}, {transform_indices = #map1}, {transform_indices = #map}]} {
    %mul3A = arith.constant 2 : i32
    %mul3A_0 = arith.muli %arg1, %mul3A : i32
    %add3A = arith.addi %mul3A_0, %arg0 : i32
    %mul3A_1 = arith.constant 1600 : i32
    %mul3A_2 = arith.muli %add3A, %mul3A_1 : i32
    "tpu.region"() ({
      %run_scoped3A = tpu.sem_alloc : memref<!tpu.dma_semaphore, #tpu.memory_space<semaphore_mem>>
      %dma_start3A_49 = tpu.memref_slice %arg3[%mul3A_2] : memref<51200xi32, #tpu.memory_space<hbm>> -> memref<1600xi32, #tpu.memory_space<hbm>>
      %dma_start3A_50 = tpu.memref_slice %arg3[%mul3A_2] : memref<51200xi32, #tpu.memory_space<hbm>> -> memref<1600xi32, #tpu.memory_space<hbm>>
      tpu.enqueue_dma source(%dma_start3A_50 : memref<1600xi32, #tpu.memory_space<hbm>>) target(%arg5 : memref<1600xi32, #tpu.memory_space<vmem>>) target_semaphore(%run_scoped3A : memref<!tpu.dma_semaphore, #tpu.memory_space<semaphore_mem>>)
      %dma_wait3A_51 = tpu.memref_slice %arg3[%mul3A_2] : memref<51200xi32, #tpu.memory_space<hbm>> -> memref<1600xi32, #tpu.memory_space<hbm>>
      %dma_wait3A_52 = tpu.memref_slice %arg3[%mul3A_2] : memref<51200xi32, #tpu.memory_space<hbm>> -> memref<1600xi32, #tpu.memory_space<hbm>>
      tpu.wait_dma2 semaphore(%run_scoped3A : memref<!tpu.dma_semaphore, #tpu.memory_space<semaphore_mem>>) src(%dma_wait3A_52 : memref<1600xi32, #tpu.memory_space<hbm>>) dst(%arg5 : memref<1600xi32, #tpu.memory_space<vmem>>)
      tpu.yield
    }) : () -> ()
    %dma_start3A = arith.constant 0 : i32
    %dma_start3A_3 = tpu.memref_slice %arg5[%dma_start3A] : memref<1600xi32, #tpu.memory_space<vmem>> -> memref<400xi32, #tpu.memory_space<vmem>>
    %dma_start3A_4 = arith.constant 0 : i32
    %dma_start3A_5 = arith.constant 0 : i32
    %dma_start3A_6 = tpu.memref_slice %arg2[%dma_start3A_4, %dma_start3A_5] : memref<10240x128xf32, #tpu.memory_space<hbm>> -> memref<10240x128xf32, #tpu.memory_space<hbm>>
    tpu.enqueue_indirect_dma source(%dma_start3A_6 : memref<10240x128xf32, #tpu.memory_space<hbm>>) target(%arg6 : memref<400x128xf32, #tpu.memory_space<vmem>>) offsets(%dma_start3A_3 : memref<400xi32, #tpu.memory_space<vmem>>) semaphore(%arg7 : memref<!tpu.dma_semaphore, #tpu.memory_space<semaphore_mem>>)
    %dma_wait3A = arith.constant 0 : i32
    %dma_wait3A_7 = tpu.memref_slice %arg5[%dma_wait3A] : memref<1600xi32, #tpu.memory_space<vmem>> -> memref<400xi32, #tpu.memory_space<vmem>>
    %dma_wait3A_8 = arith.constant 0 : i32
    %dma_wait3A_9 = arith.constant 0 : i32
    %dma_wait3A_10 = tpu.memref_slice %arg2[%dma_wait3A_8, %dma_wait3A_9] : memref<10240x128xf32, #tpu.memory_space<hbm>> -> memref<10240x128xf32, #tpu.memory_space<hbm>>
    tpu.wait_indirect_dma semaphore(%arg7 : memref<!tpu.dma_semaphore, #tpu.memory_space<semaphore_mem>>) src(%dma_wait3A_10 : memref<10240x128xf32, #tpu.memory_space<hbm>>) dst(%arg6 : memref<400x128xf32, #tpu.memory_space<vmem>>)
    %add3A_11 = arith.constant 0 : i32
    %add3A_12 = arith.addi %mul3A_2, %add3A_11 : i32
    "tpu.region"() ({
      %run_scoped3A = tpu.sem_alloc : memref<!tpu.dma_semaphore, #tpu.memory_space<semaphore_mem>>
      %dma_start3A_49 = arith.constant 0 : i32
      %dma_start3A_50 = tpu.memref_slice %arg4[%add3A_12, %dma_start3A_49] : memref<51200x128xf32, #tpu.memory_space<hbm>> -> memref<400x128xf32, #tpu.memory_space<hbm>>
      %dma_start3A_51 = arith.constant 0 : i32
      %dma_start3A_52 = tpu.memref_slice %arg4[%add3A_12, %dma_start3A_51] : memref<51200x128xf32, #tpu.memory_space<hbm>> -> memref<400x128xf32, #tpu.memory_space<hbm>>
      tpu.enqueue_dma source(%arg6 : memref<400x128xf32, #tpu.memory_space<vmem>>) target(%dma_start3A_52 : memref<400x128xf32, #tpu.memory_space<hbm>>) target_semaphore(%run_scoped3A : memref<!tpu.dma_semaphore, #tpu.memory_space<semaphore_mem>>)
      %dma_wait3A_53 = arith.constant 0 : i32
      %dma_wait3A_54 = tpu.memref_slice %arg4[%add3A_12, %dma_wait3A_53] : memref<51200x128xf32, #tpu.memory_space<hbm>> -> memref<400x128xf32, #tpu.memory_space<hbm>>
      %dma_wait3A_55 = arith.constant 0 : i32
      %dma_wait3A_56 = tpu.memref_slice %arg4[%add3A_12, %dma_wait3A_55] : memref<51200x128xf32, #tpu.memory_space<hbm>> -> memref<400x128xf32, #tpu.memory_space<hbm>>
      tpu.wait_dma2 semaphore(%run_scoped3A : memref<!tpu.dma_semaphore, #tpu.memory_space<semaphore_mem>>) src(%arg6 : memref<400x128xf32, #tpu.memory_space<vmem>>) dst(%dma_wait3A_56 : memref<400x128xf32, #tpu.memory_space<hbm>>)
      tpu.yield
    }) : () -> ()
    %dma_start3A_13 = arith.constant 400 : i32
    %dma_start3A_14 = tpu.memref_slice %arg5[%dma_start3A_13] : memref<1600xi32, #tpu.memory_space<vmem>> -> memref<400xi32, #tpu.memory_space<vmem>>
    %dma_start3A_15 = arith.constant 0 : i32
    %dma_start3A_16 = arith.constant 0 : i32
    %dma_start3A_17 = tpu.memref_slice %arg2[%dma_start3A_15, %dma_start3A_16] : memref<10240x128xf32, #tpu.memory_space<hbm>> -> memref<10240x128xf32, #tpu.memory_space<hbm>>
    tpu.enqueue_indirect_dma source(%dma_start3A_17 : memref<10240x128xf32, #tpu.memory_space<hbm>>) target(%arg6 : memref<400x128xf32, #tpu.memory_space<vmem>>) offsets(%dma_start3A_14 : memref<400xi32, #tpu.memory_space<vmem>>) semaphore(%arg7 : memref<!tpu.dma_semaphore, #tpu.memory_space<semaphore_mem>>)
    %dma_wait3A_18 = arith.constant 400 : i32
    %dma_wait3A_19 = tpu.memref_slice %arg5[%dma_wait3A_18] : memref<1600xi32, #tpu.memory_space<vmem>> -> memref<400xi32, #tpu.memory_space<vmem>>
    %dma_wait3A_20 = arith.constant 0 : i32
    %dma_wait3A_21 = arith.constant 0 : i32
    %dma_wait3A_22 = tpu.memref_slice %arg2[%dma_wait3A_20, %dma_wait3A_21] : memref<10240x128xf32, #tpu.memory_space<hbm>> -> memref<10240x128xf32, #tpu.memory_space<hbm>>
    tpu.wait_indirect_dma semaphore(%arg7 : memref<!tpu.dma_semaphore, #tpu.memory_space<semaphore_mem>>) src(%dma_wait3A_22 : memref<10240x128xf32, #tpu.memory_space<hbm>>) dst(%arg6 : memref<400x128xf32, #tpu.memory_space<vmem>>)
    %add3A_23 = arith.constant 400 : i32
    %add3A_24 = arith.addi %mul3A_2, %add3A_23 : i32
    "tpu.region"() ({
      %run_scoped3A = tpu.sem_alloc : memref<!tpu.dma_semaphore, #tpu.memory_space<semaphore_mem>>
      %dma_start3A_49 = arith.constant 0 : i32
      %dma_start3A_50 = tpu.memref_slice %arg4[%add3A_24, %dma_start3A_49] : memref<51200x128xf32, #tpu.memory_space<hbm>> -> memref<400x128xf32, #tpu.memory_space<hbm>>
      %dma_start3A_51 = arith.constant 0 : i32
      %dma_start3A_52 = tpu.memref_slice %arg4[%add3A_24, %dma_start3A_51] : memref<51200x128xf32, #tpu.memory_space<hbm>> -> memref<400x128xf32, #tpu.memory_space<hbm>>
      tpu.enqueue_dma source(%arg6 : memref<400x128xf32, #tpu.memory_space<vmem>>) target(%dma_start3A_52 : memref<400x128xf32, #tpu.memory_space<hbm>>) target_semaphore(%run_scoped3A : memref<!tpu.dma_semaphore, #tpu.memory_space<semaphore_mem>>)
      %dma_wait3A_53 = arith.constant 0 : i32
      %dma_wait3A_54 = tpu.memref_slice %arg4[%add3A_24, %dma_wait3A_53] : memref<51200x128xf32, #tpu.memory_space<hbm>> -> memref<400x128xf32, #tpu.memory_space<hbm>>
      %dma_wait3A_55 = arith.constant 0 : i32
      %dma_wait3A_56 = tpu.memref_slice %arg4[%add3A_24, %dma_wait3A_55] : memref<51200x128xf32, #tpu.memory_space<hbm>> -> memref<400x128xf32, #tpu.memory_space<hbm>>
      tpu.wait_dma2 semaphore(%run_scoped3A : memref<!tpu.dma_semaphore, #tpu.memory_space<semaphore_mem>>) src(%arg6 : memref<400x128xf32, #tpu.memory_space<vmem>>) dst(%dma_wait3A_56 : memref<400x128xf32, #tpu.memory_space<hbm>>)
      tpu.yield
    }) : () -> ()
    %dma_start3A_25 = arith.constant 800 : i32
    %dma_start3A_26 = tpu.memref_slice %arg5[%dma_start3A_25] : memref<1600xi32, #tpu.memory_space<vmem>> -> memref<400xi32, #tpu.memory_space<vmem>>
    %dma_start3A_27 = arith.constant 0 : i32
    %dma_start3A_28 = arith.constant 0 : i32
    %dma_start3A_29 = tpu.memref_slice %arg2[%dma_start3A_27, %dma_start3A_28] : memref<10240x128xf32, #tpu.memory_space<hbm>> -> memref<10240x128xf32, #tpu.memory_space<hbm>>
    tpu.enqueue_indirect_dma source(%dma_start3A_29 : memref<10240x128xf32, #tpu.memory_space<hbm>>) target(%arg6 : memref<400x128xf32, #tpu.memory_space<vmem>>) offsets(%dma_start3A_26 : memref<400xi32, #tpu.memory_space<vmem>>) semaphore(%arg7 : memref<!tpu.dma_semaphore, #tpu.memory_space<semaphore_mem>>)
    %dma_wait3A_30 = arith.constant 800 : i32
    %dma_wait3A_31 = tpu.memref_slice %arg5[%dma_wait3A_30] : memref<1600xi32, #tpu.memory_space<vmem>> -> memref<400xi32, #tpu.memory_space<vmem>>
    %dma_wait3A_32 = arith.constant 0 : i32
    %dma_wait3A_33 = arith.constant 0 : i32
    %dma_wait3A_34 = tpu.memref_slice %arg2[%dma_wait3A_32, %dma_wait3A_33] : memref<10240x128xf32, #tpu.memory_space<hbm>> -> memref<10240x128xf32, #tpu.memory_space<hbm>>
    tpu.wait_indirect_dma semaphore(%arg7 : memref<!tpu.dma_semaphore, #tpu.memory_space<semaphore_mem>>) src(%dma_wait3A_34 : memref<10240x128xf32, #tpu.memory_space<hbm>>) dst(%arg6 : memref<400x128xf32, #tpu.memory_space<vmem>>)
    %add3A_35 = arith.constant 800 : i32
    %add3A_36 = arith.addi %mul3A_2, %add3A_35 : i32
    "tpu.region"() ({
      %run_scoped3A = tpu.sem_alloc : memref<!tpu.dma_semaphore, #tpu.memory_space<semaphore_mem>>
      %dma_start3A_49 = arith.constant 0 : i32
      %dma_start3A_50 = tpu.memref_slice %arg4[%add3A_36, %dma_start3A_49] : memref<51200x128xf32, #tpu.memory_space<hbm>> -> memref<400x128xf32, #tpu.memory_space<hbm>>
      %dma_start3A_51 = arith.constant 0 : i32
      %dma_start3A_52 = tpu.memref_slice %arg4[%add3A_36, %dma_start3A_51] : memref<51200x128xf32, #tpu.memory_space<hbm>> -> memref<400x128xf32, #tpu.memory_space<hbm>>
      tpu.enqueue_dma source(%arg6 : memref<400x128xf32, #tpu.memory_space<vmem>>) target(%dma_start3A_52 : memref<400x128xf32, #tpu.memory_space<hbm>>) target_semaphore(%run_scoped3A : memref<!tpu.dma_semaphore, #tpu.memory_space<semaphore_mem>>)
      %dma_wait3A_53 = arith.constant 0 : i32
      %dma_wait3A_54 = tpu.memref_slice %arg4[%add3A_36, %dma_wait3A_53] : memref<51200x128xf32, #tpu.memory_space<hbm>> -> memref<400x128xf32, #tpu.memory_space<hbm>>
      %dma_wait3A_55 = arith.constant 0 : i32
      %dma_wait3A_56 = tpu.memref_slice %arg4[%add3A_36, %dma_wait3A_55] : memref<51200x128xf32, #tpu.memory_space<hbm>> -> memref<400x128xf32, #tpu.memory_space<hbm>>
      tpu.wait_dma2 semaphore(%run_scoped3A : memref<!tpu.dma_semaphore, #tpu.memory_space<semaphore_mem>>) src(%arg6 : memref<400x128xf32, #tpu.memory_space<vmem>>) dst(%dma_wait3A_56 : memref<400x128xf32, #tpu.memory_space<hbm>>)
      tpu.yield
    }) : () -> ()
    %dma_start3A_37 = arith.constant 1200 : i32
    %dma_start3A_38 = tpu.memref_slice %arg5[%dma_start3A_37] : memref<1600xi32, #tpu.memory_space<vmem>> -> memref<400xi32, #tpu.memory_space<vmem>>
    %dma_start3A_39 = arith.constant 0 : i32
    %dma_start3A_40 = arith.constant 0 : i32
    %dma_start3A_41 = tpu.memref_slice %arg2[%dma_start3A_39, %dma_start3A_40] : memref<10240x128xf32, #tpu.memory_space<hbm>> -> memref<10240x128xf32, #tpu.memory_space<hbm>>
    tpu.enqueue_indirect_dma source(%dma_start3A_41 : memref<10240x128xf32, #tpu.memory_space<hbm>>) target(%arg6 : memref<400x128xf32, #tpu.memory_space<vmem>>) offsets(%dma_start3A_38 : memref<400xi32, #tpu.memory_space<vmem>>) semaphore(%arg7 : memref<!tpu.dma_semaphore, #tpu.memory_space<semaphore_mem>>)
    %dma_wait3A_42 = arith.constant 1200 : i32
    %dma_wait3A_43 = tpu.memref_slice %arg5[%dma_wait3A_42] : memref<1600xi32, #tpu.memory_space<vmem>> -> memref<400xi32, #tpu.memory_space<vmem>>
    %dma_wait3A_44 = arith.constant 0 : i32
    %dma_wait3A_45 = arith.constant 0 : i32
    %dma_wait3A_46 = tpu.memref_slice %arg2[%dma_wait3A_44, %dma_wait3A_45] : memref<10240x128xf32, #tpu.memory_space<hbm>> -> memref<10240x128xf32, #tpu.memory_space<hbm>>
    tpu.wait_indirect_dma semaphore(%arg7 : memref<!tpu.dma_semaphore, #tpu.memory_space<semaphore_mem>>) src(%dma_wait3A_46 : memref<10240x128xf32, #tpu.memory_space<hbm>>) dst(%arg6 : memref<400x128xf32, #tpu.memory_space<vmem>>)
    %add3A_47 = arith.constant 1200 : i32
    %add3A_48 = arith.addi %mul3A_2, %add3A_47 : i32
    "tpu.region"() ({
      %run_scoped3A = tpu.sem_alloc : memref<!tpu.dma_semaphore, #tpu.memory_space<semaphore_mem>>
      %dma_start3A_49 = arith.constant 0 : i32
      %dma_start3A_50 = tpu.memref_slice %arg4[%add3A_48, %dma_start3A_49] : memref<51200x128xf32, #tpu.memory_space<hbm>> -> memref<400x128xf32, #tpu.memory_space<hbm>>
      %dma_start3A_51 = arith.constant 0 : i32
      %dma_start3A_52 = tpu.memref_slice %arg4[%add3A_48, %dma_start3A_51] : memref<51200x128xf32, #tpu.memory_space<hbm>> -> memref<400x128xf32, #tpu.memory_space<hbm>>
      tpu.enqueue_dma source(%arg6 : memref<400x128xf32, #tpu.memory_space<vmem>>) target(%dma_start3A_52 : memref<400x128xf32, #tpu.memory_space<hbm>>) target_semaphore(%run_scoped3A : memref<!tpu.dma_semaphore, #tpu.memory_space<semaphore_mem>>)
      %dma_wait3A_53 = arith.constant 0 : i32
      %dma_wait3A_54 = tpu.memref_slice %arg4[%add3A_48, %dma_wait3A_53] : memref<51200x128xf32, #tpu.memory_space<hbm>> -> memref<400x128xf32, #tpu.memory_space<hbm>>
      %dma_wait3A_55 = arith.constant 0 : i32
      %dma_wait3A_56 = tpu.memref_slice %arg4[%add3A_48, %dma_wait3A_55] : memref<51200x128xf32, #tpu.memory_space<hbm>> -> memref<400x128xf32, #tpu.memory_space<hbm>>
      tpu.wait_dma2 semaphore(%run_scoped3A : memref<!tpu.dma_semaphore, #tpu.memory_space<semaphore_mem>>) src(%arg6 : memref<400x128xf32, #tpu.memory_space<vmem>>) dst(%dma_wait3A_56 : memref<400x128xf32, #tpu.memory_space<hbm>>)
      tpu.yield
    }) : () -> ()
    return
  }
}

#map = affine_map<(d0, d1) -> (0, 0)>
#map1 = affine_map<(d0, d1) -> (0)>
module attributes {stable_mosaic.version = 14 : i64} {
  func.func @k(%arg0: i32, %arg1: i32, %arg2: memref<10240x128xf32, #tpu.memory_space<hbm>>, %arg3: memref<5120xi32, #tpu.memory_space<hbm>>, %arg4: memref<5120x128xf32, #tpu.memory_space<hbm>>, %arg5: memref<160xi32, #tpu.memory_space<vmem>>, %arg6: memref<160x128xf32, #tpu.memory_space<vmem>>, %arg7: memref<!tpu.dma_semaphore, #tpu.memory_space<semaphore_mem>>) attributes {dimension_semantics = [#tpu.dimension_semantics<core_parallel>, #tpu.dimension_semantics<subcore_parallel>], iteration_bounds = array<i64: 2, 16>, scalar_prefetch = 0 : i64, scratch_operands = 3 : i64, tpu.core_type = #tpu.core_type<sc_vector_subcore>, window_params = [{transform_indices = #map}, {transform_indices = #map1}, {transform_indices = #map}]} {
    %mul3A = arith.constant 2 : i32
    %mul3A_0 = arith.muli %arg1, %mul3A : i32
    %add3A = arith.addi %mul3A_0, %arg0 : i32
    %mul3A_1 = arith.constant 160 : i32
    %mul3A_2 = arith.muli %add3A, %mul3A_1 : i32
    "tpu.region"() ({
      %run_scoped3A = tpu.sem_alloc : memref<!tpu.dma_semaphore, #tpu.memory_space<semaphore_mem>>
      %dma_start3A_13 = tpu.memref_slice %arg3[%mul3A_2] : memref<5120xi32, #tpu.memory_space<hbm>> -> memref<160xi32, #tpu.memory_space<hbm>>
      %dma_start3A_14 = tpu.memref_slice %arg3[%mul3A_2] : memref<5120xi32, #tpu.memory_space<hbm>> -> memref<160xi32, #tpu.memory_space<hbm>>
      tpu.enqueue_dma source(%dma_start3A_14 : memref<160xi32, #tpu.memory_space<hbm>>) target(%arg5 : memref<160xi32, #tpu.memory_space<vmem>>) target_semaphore(%run_scoped3A : memref<!tpu.dma_semaphore, #tpu.memory_space<semaphore_mem>>)
      %dma_wait3A_15 = tpu.memref_slice %arg3[%mul3A_2] : memref<5120xi32, #tpu.memory_space<hbm>> -> memref<160xi32, #tpu.memory_space<hbm>>
      %dma_wait3A_16 = tpu.memref_slice %arg3[%mul3A_2] : memref<5120xi32, #tpu.memory_space<hbm>> -> memref<160xi32, #tpu.memory_space<hbm>>
      tpu.wait_dma2 semaphore(%run_scoped3A : memref<!tpu.dma_semaphore, #tpu.memory_space<semaphore_mem>>) src(%dma_wait3A_16 : memref<160xi32, #tpu.memory_space<hbm>>) dst(%arg5 : memref<160xi32, #tpu.memory_space<vmem>>)
      tpu.yield
    }) : () -> ()
    %dma_start3A = arith.constant 0 : i32
    %dma_start3A_3 = tpu.memref_slice %arg5[%dma_start3A] : memref<160xi32, #tpu.memory_space<vmem>> -> memref<160xi32, #tpu.memory_space<vmem>>
    %dma_start3A_4 = arith.constant 0 : i32
    %dma_start3A_5 = arith.constant 0 : i32
    %dma_start3A_6 = tpu.memref_slice %arg2[%dma_start3A_4, %dma_start3A_5] : memref<10240x128xf32, #tpu.memory_space<hbm>> -> memref<10240x128xf32, #tpu.memory_space<hbm>>
    tpu.enqueue_indirect_dma source(%dma_start3A_6 : memref<10240x128xf32, #tpu.memory_space<hbm>>) target(%arg6 : memref<160x128xf32, #tpu.memory_space<vmem>>) offsets(%dma_start3A_3 : memref<160xi32, #tpu.memory_space<vmem>>) semaphore(%arg7 : memref<!tpu.dma_semaphore, #tpu.memory_space<semaphore_mem>>)
    %dma_wait3A = arith.constant 0 : i32
    %dma_wait3A_7 = tpu.memref_slice %arg5[%dma_wait3A] : memref<160xi32, #tpu.memory_space<vmem>> -> memref<160xi32, #tpu.memory_space<vmem>>
    %dma_wait3A_8 = arith.constant 0 : i32
    %dma_wait3A_9 = arith.constant 0 : i32
    %dma_wait3A_10 = tpu.memref_slice %arg2[%dma_wait3A_8, %dma_wait3A_9] : memref<10240x128xf32, #tpu.memory_space<hbm>> -> memref<10240x128xf32, #tpu.memory_space<hbm>>
    tpu.wait_indirect_dma semaphore(%arg7 : memref<!tpu.dma_semaphore, #tpu.memory_space<semaphore_mem>>) src(%dma_wait3A_10 : memref<10240x128xf32, #tpu.memory_space<hbm>>) dst(%arg6 : memref<160x128xf32, #tpu.memory_space<vmem>>)
    %add3A_11 = arith.constant 0 : i32
    %add3A_12 = arith.addi %mul3A_2, %add3A_11 : i32
    "tpu.region"() ({
      %run_scoped3A = tpu.sem_alloc : memref<!tpu.dma_semaphore, #tpu.memory_space<semaphore_mem>>
      %dma_start3A_13 = arith.constant 0 : i32
      %dma_start3A_14 = tpu.memref_slice %arg4[%add3A_12, %dma_start3A_13] : memref<5120x128xf32, #tpu.memory_space<hbm>> -> memref<160x128xf32, #tpu.memory_space<hbm>>
      %dma_start3A_15 = arith.constant 0 : i32
      %dma_start3A_16 = tpu.memref_slice %arg4[%add3A_12, %dma_start3A_15] : memref<5120x128xf32, #tpu.memory_space<hbm>> -> memref<160x128xf32, #tpu.memory_space<hbm>>
      tpu.enqueue_dma source(%arg6 : memref<160x128xf32, #tpu.memory_space<vmem>>) target(%dma_start3A_16 : memref<160x128xf32, #tpu.memory_space<hbm>>) target_semaphore(%run_scoped3A : memref<!tpu.dma_semaphore, #tpu.memory_space<semaphore_mem>>)
      %dma_wait3A_17 = arith.constant 0 : i32
      %dma_wait3A_18 = tpu.memref_slice %arg4[%add3A_12, %dma_wait3A_17] : memref<5120x128xf32, #tpu.memory_space<hbm>> -> memref<160x128xf32, #tpu.memory_space<hbm>>
      %dma_wait3A_19 = arith.constant 0 : i32
      %dma_wait3A_20 = tpu.memref_slice %arg4[%add3A_12, %dma_wait3A_19] : memref<5120x128xf32, #tpu.memory_space<hbm>> -> memref<160x128xf32, #tpu.memory_space<hbm>>
      tpu.wait_dma2 semaphore(%run_scoped3A : memref<!tpu.dma_semaphore, #tpu.memory_space<semaphore_mem>>) src(%arg6 : memref<160x128xf32, #tpu.memory_space<vmem>>) dst(%dma_wait3A_20 : memref<160x128xf32, #tpu.memory_space<hbm>>)
      tpu.yield
    }) : () -> ()
    return
  }
}

module attributes {stable_mosaic.version = 14 : i64} {
  func.func @_fps_body(%arg0: memref<3x8x1280xf32, #tpu.memory_space<vmem>>, %arg1: memref<3x10240xf32, #tpu.memory_space<smem>>, %arg2: memref<5000xi32, #tpu.memory_space<smem>>, %arg3: memref<8x1280xf32, #tpu.memory_space<vmem>>) attributes {dimension_semantics = [], scalar_prefetch = 0 : i64, scratch_operands = 1 : i64, tpu.core_type = #tpu.core_type<tc>} {
    %get3A = arith.constant 0 : index
    %get3A_0 = arith.constant 0 : index
    %get3A_1 = arith.constant 0 : index
    %get3A_2 = vector.load %arg0[%get3A, %get3A_0, %get3A_1] : memref<3x8x1280xf32, #tpu.memory_space<vmem>>, vector<1x8x1280xf32>
    %get3A_3 = vector.shape_cast %get3A_2 : vector<1x8x1280xf32> to vector<8x1280xf32>
    %get3A_4 = arith.constant 1 : index
    %get3A_5 = arith.constant 0 : index
    %get3A_6 = arith.constant 0 : index
    %get3A_7 = vector.load %arg0[%get3A_4, %get3A_5, %get3A_6] : memref<3x8x1280xf32, #tpu.memory_space<vmem>>, vector<1x8x1280xf32>
    %get3A_8 = vector.shape_cast %get3A_7 : vector<1x8x1280xf32> to vector<8x1280xf32>
    %get3A_9 = arith.constant 2 : index
    %get3A_10 = arith.constant 0 : index
    %get3A_11 = arith.constant 0 : index
    %get3A_12 = vector.load %arg0[%get3A_9, %get3A_10, %get3A_11] : memref<3x8x1280xf32, #tpu.memory_space<vmem>>, vector<1x8x1280xf32>
    %get3A_13 = vector.shape_cast %get3A_12 : vector<1x8x1280xf32> to vector<8x1280xf32>
    %iota3A = tpu.iota {dimensions = array<i32: 0>} : vector<8x1280xi32>
    %iota3A_14 = tpu.iota {dimensions = array<i32: 1>} : vector<8x1280xi32>
    %mul3A = arith.constant 1280 : i32
    %mul3A_15 = vector.broadcast %mul3A : i32 to vector<8x1280xi32>
    %mul3A_16 = arith.muli %iota3A, %mul3A_15 : vector<8x1280xi32>
    %add3A = arith.addi %mul3A_16, %iota3A_14 : vector<8x1280xi32>
    %lt3A = arith.constant 10000 : i32
    %lt3A_17 = vector.broadcast %lt3A : i32 to vector<8x1280xi32>
    %lt3A_18 = arith.cmpi slt, %add3A, %lt3A_17 : vector<8x1280xi32>
    %get3A_19 = arith.constant 0 : index
    %get3A_20 = arith.constant 0 : index
    %get3A_21 = memref.load %arg1[%get3A_19, %get3A_20] : memref<3x10240xf32, #tpu.memory_space<smem>>
    %get3A_22 = arith.constant 1 : index
    %get3A_23 = arith.constant 0 : index
    %get3A_24 = memref.load %arg1[%get3A_22, %get3A_23] : memref<3x10240xf32, #tpu.memory_space<smem>>
    %get3A_25 = arith.constant 2 : index
    %get3A_26 = arith.constant 0 : index
    %get3A_27 = memref.load %arg1[%get3A_25, %get3A_26] : memref<3x10240xf32, #tpu.memory_space<smem>>
    %sub3A = vector.broadcast %get3A_21 : f32 to vector<8x1280xf32>
    %sub3A_28 = arith.subf %get3A_3, %sub3A : vector<8x1280xf32>
    %sub3A_29 = vector.broadcast %get3A_24 : f32 to vector<8x1280xf32>
    %sub3A_30 = arith.subf %get3A_8, %sub3A_29 : vector<8x1280xf32>
    %sub3A_31 = vector.broadcast %get3A_27 : f32 to vector<8x1280xf32>
    %sub3A_32 = arith.subf %get3A_13, %sub3A_31 : vector<8x1280xf32>
    %mul3A_33 = arith.mulf %sub3A_28, %sub3A_28 : vector<8x1280xf32>
    %mul3A_34 = arith.mulf %sub3A_30, %sub3A_30 : vector<8x1280xf32>
    %add3A_35 = arith.addf %mul3A_33, %mul3A_34 : vector<8x1280xf32>
    %mul3A_36 = arith.mulf %sub3A_32, %sub3A_32 : vector<8x1280xf32>
    %add3A_37 = arith.addf %add3A_35, %mul3A_36 : vector<8x1280xf32>
    %swap3A = arith.constant 0 : i32
    %swap3A_38 = arith.constant 0 : index
    %swap3A_39 = memref.load %arg2[%swap3A_38] : memref<5000xi32, #tpu.memory_space<smem>>
    memref.store %swap3A, %arg2[%swap3A_38] : memref<5000xi32, #tpu.memory_space<smem>>
    %jit3A = arith.constant 0xFF800000 : f32
    %broadcast_in_dim3A = vector.broadcast %jit3A : f32 to vector<8x1280xf32>
    %select_n3A = arith.select %lt3A_18, %add3A_37, %broadcast_in_dim3A : vector<8x1280xi1>, vector<8x1280xf32>
    %scan3A = arith.constant 1 : i32
    %scan3A_40 = arith.constant 4992 : i32
    %scan3A_41 = arith.addi %scan3A, %scan3A_40 : i32
    %scan3A_42 = arith.constant 8 : i32
    %scan3A_43 = scf.for %scan3A_344 = %scan3A to %scan3A_41 step %scan3A_42 iter_args(%scan3A_345 = %select_n3A) -> (vector<8x1280xf32>)  : i32 {
      %reduce_max3A_346 = arith.constant dense<0xFF800000> : vector<1280xf32>
      %reduce_max3A_347 = vector.multi_reduction <maximumf>, %scan3A_345, %reduce_max3A_346 [0] : vector<8x1280xf32> to vector<1280xf32>
      %broadcast_in_dim3A_348 = vector.shape_cast %reduce_max3A_347 : vector<1280xf32> to vector<1x1280xf32>
      %reduce_max3A_349 = arith.constant dense<0xFF800000> : vector<1xf32>
      %reduce_max3A_350 = vector.multi_reduction <maximumf>, %broadcast_in_dim3A_348, %reduce_max3A_349 [1] : vector<1x1280xf32> to vector<1xf32>
      %broadcast_in_dim3A_351 = vector.shape_cast %reduce_max3A_350 : vector<1xf32> to vector<1x1xf32>
      %eq3A_352 = vector.broadcast %broadcast_in_dim3A_351 : vector<1x1xf32> to vector<8x1280xf32>
      %eq3A_353 = arith.cmpf oeq, %scan3A_345, %eq3A_352 : vector<8x1280xf32>
      %jit3A_354 = arith.constant 10240 : i32
      %broadcast_in_dim3A_355 = vector.broadcast %jit3A_354 : i32 to vector<8x1280xi32>
      %select_n3A_356 = arith.select %eq3A_353, %add3A, %broadcast_in_dim3A_355 : vector<8x1280xi1>, vector<8x1280xi32>
      %reduce_min3A_357 = arith.constant dense<2147483647> : vector<1280xi32>
      %reduce_min3A_358 = vector.multi_reduction <minsi>, %select_n3A_356, %reduce_min3A_357 [0] : vector<8x1280xi32> to vector<1280xi32>
      %broadcast_in_dim3A_359 = vector.shape_cast %reduce_min3A_358 : vector<1280xi32> to vector<1x1280xi32>
      %reduce_min3A_360 = arith.constant dense<2147483647> : vector<1xi32>
      %reduce_min3A_361 = vector.multi_reduction <minsi>, %broadcast_in_dim3A_359, %reduce_min3A_360 [1] : vector<1x1280xi32> to vector<1xi32>
      %broadcast_in_dim3A_362 = vector.shape_cast %reduce_min3A_361 : vector<1xi32> to vector<1x1xi32>
      %squeeze3A_363 = vector.extract %broadcast_in_dim3A_362[0, 0] : i32 from vector<1x1xi32>
      %get3A_364 = arith.constant 0 : index
      %get3A_365 = arith.index_cast %squeeze3A_363 : i32 to index
      %get3A_366 = memref.load %arg1[%get3A_364, %get3A_365] : memref<3x10240xf32, #tpu.memory_space<smem>>
      %get3A_367 = arith.constant 1 : index
      %get3A_368 = arith.index_cast %squeeze3A_363 : i32 to index
      %get3A_369 = memref.load %arg1[%get3A_367, %get3A_368] : memref<3x10240xf32, #tpu.memory_space<smem>>
      %get3A_370 = arith.constant 2 : index
      %get3A_371 = arith.index_cast %squeeze3A_363 : i32 to index
      %get3A_372 = memref.load %arg1[%get3A_370, %get3A_371] : memref<3x10240xf32, #tpu.memory_space<smem>>
      %sub3A_373 = vector.broadcast %get3A_366 : f32 to vector<8x1280xf32>
      %sub3A_374 = arith.subf %get3A_3, %sub3A_373 : vector<8x1280xf32>
      %sub3A_375 = vector.broadcast %get3A_369 : f32 to vector<8x1280xf32>
      %sub3A_376 = arith.subf %get3A_8, %sub3A_375 : vector<8x1280xf32>
      %sub3A_377 = vector.broadcast %get3A_372 : f32 to vector<8x1280xf32>
      %sub3A_378 = arith.subf %get3A_13, %sub3A_377 : vector<8x1280xf32>
      %mul3A_379 = arith.mulf %sub3A_374, %sub3A_374 : vector<8x1280xf32>
      %mul3A_380 = arith.mulf %sub3A_376, %sub3A_376 : vector<8x1280xf32>
      %add3A_381 = arith.addf %mul3A_379, %mul3A_380 : vector<8x1280xf32>
      %mul3A_382 = arith.mulf %sub3A_378, %sub3A_378 : vector<8x1280xf32>
      %add3A_383 = arith.addf %add3A_381, %mul3A_382 : vector<8x1280xf32>
      %swap3A_384 = arith.index_cast %scan3A_344 : i32 to index
      %swap3A_385 = memref.load %arg2[%swap3A_384] : memref<5000xi32, #tpu.memory_space<smem>>
      memref.store %squeeze3A_363, %arg2[%swap3A_384] : memref<5000xi32, #tpu.memory_space<smem>>
      %min3A_386 = arith.minimumf %scan3A_345, %add3A_383 : vector<8x1280xf32>
      %scan3A_387 = arith.constant 1 : i32
      %scan3A_388 = arith.addi %scan3A_344, %scan3A_387 : i32
      %reduce_max3A_389 = arith.constant dense<0xFF800000> : vector<1280xf32>
      %reduce_max3A_390 = vector.multi_reduction <maximumf>, %min3A_386, %reduce_max3A_389 [0] : vector<8x1280xf32> to vector<1280xf32>
      %broadcast_in_dim3A_391 = vector.shape_cast %reduce_max3A_390 : vector<1280xf32> to vector<1x1280xf32>
      %reduce_max3A_392 = arith.constant dense<0xFF800000> : vector<1xf32>
      %reduce_max3A_393 = vector.multi_reduction <maximumf>, %broadcast_in_dim3A_391, %reduce_max3A_392 [1] : vector<1x1280xf32> to vector<1xf32>
      %broadcast_in_dim3A_394 = vector.shape_cast %reduce_max3A_393 : vector<1xf32> to vector<1x1xf32>
      %eq3A_395 = vector.broadcast %broadcast_in_dim3A_394 : vector<1x1xf32> to vector<8x1280xf32>
      %eq3A_396 = arith.cmpf oeq, %min3A_386, %eq3A_395 : vector<8x1280xf32>
      %jit3A_397 = arith.constant 10240 : i32
      %broadcast_in_dim3A_398 = vector.broadcast %jit3A_397 : i32 to vector<8x1280xi32>
      %select_n3A_399 = arith.select %eq3A_396, %add3A, %broadcast_in_dim3A_398 : vector<8x1280xi1>, vector<8x1280xi32>
      %reduce_min3A_400 = arith.constant dense<2147483647> : vector<1280xi32>
      %reduce_min3A_401 = vector.multi_reduction <minsi>, %select_n3A_399, %reduce_min3A_400 [0] : vector<8x1280xi32> to vector<1280xi32>
      %broadcast_in_dim3A_402 = vector.shape_cast %reduce_min3A_401 : vector<1280xi32> to vector<1x1280xi32>
      %reduce_min3A_403 = arith.constant dense<2147483647> : vector<1xi32>
      %reduce_min3A_404 = vector.multi_reduction <minsi>, %broadcast_in_dim3A_402, %reduce_min3A_403 [1] : vector<1x1280xi32> to vector<1xi32>
      %broadcast_in_dim3A_405 = vector.shape_cast %reduce_min3A_404 : vector<1xi32> to vector<1x1xi32>
      %squeeze3A_406 = vector.extract %broadcast_in_dim3A_405[0, 0] : i32 from vector<1x1xi32>
      %get3A_407 = arith.constant 0 : index
      %get3A_408 = arith.index_cast %squeeze3A_406 : i32 to index
      %get3A_409 = memref.load %arg1[%get3A_407, %get3A_408] : memref<3x10240xf32, #tpu.memory_space<smem>>
      %get3A_410 = arith.constant 1 : index
      %get3A_411 = arith.index_cast %squeeze3A_406 : i32 to index
      %get3A_412 = memref.load %arg1[%get3A_410, %get3A_411] : memref<3x10240xf32, #tpu.memory_space<smem>>
      %get3A_413 = arith.constant 2 : index
      %get3A_414 = arith.index_cast %squeeze3A_406 : i32 to index
      %get3A_415 = memref.load %arg1[%get3A_413, %get3A_414] : memref<3x10240xf32, #tpu.memory_space<smem>>
      %sub3A_416 = vector.broadcast %get3A_409 : f32 to vector<8x1280xf32>
      %sub3A_417 = arith.subf %get3A_3, %sub3A_416 : vector<8x1280xf32>
      %sub3A_418 = vector.broadcast %get3A_412 : f32 to vector<8x1280xf32>
      %sub3A_419 = arith.subf %get3A_8, %sub3A_418 : vector<8x1280xf32>
      %sub3A_420 = vector.broadcast %get3A_415 : f32 to vector<8x1280xf32>
      %sub3A_421 = arith.subf %get3A_13, %sub3A_420 : vector<8x1280xf32>
      %mul3A_422 = arith.mulf %sub3A_417, %sub3A_417 : vector<8x1280xf32>
      %mul3A_423 = arith.mulf %sub3A_419, %sub3A_419 : vector<8x1280xf32>
      %add3A_424 = arith.addf %mul3A_422, %mul3A_423 : vector<8x1280xf32>
      %mul3A_425 = arith.mulf %sub3A_421, %sub3A_421 : vector<8x1280xf32>
      %add3A_426 = arith.addf %add3A_424, %mul3A_425 : vector<8x1280xf32>
      %swap3A_427 = arith.index_cast %scan3A_388 : i32 to index
      %swap3A_428 = memref.load %arg2[%swap3A_427] : memref<5000xi32, #tpu.memory_space<smem>>
      memref.store %squeeze3A_406, %arg2[%swap3A_427] : memref<5000xi32, #tpu.memory_space<smem>>
      %min3A_429 = arith.minimumf %min3A_386, %add3A_426 : vector<8x1280xf32>
      %scan3A_430 = arith.constant 2 : i32
      %scan3A_431 = arith.addi %scan3A_344, %scan3A_430 : i32
      %reduce_max3A_432 = arith.constant dense<0xFF800000> : vector<1280xf32>
      %reduce_max3A_433 = vector.multi_reduction <maximumf>, %min3A_429, %reduce_max3A_432 [0] : vector<8x1280xf32> to vector<1280xf32>
      %broadcast_in_dim3A_434 = vector.shape_cast %reduce_max3A_433 : vector<1280xf32> to vector<1x1280xf32>
      %reduce_max3A_435 = arith.constant dense<0xFF800000> : vector<1xf32>
      %reduce_max3A_436 = vector.multi_reduction <maximumf>, %broadcast_in_dim3A_434, %reduce_max3A_435 [1] : vector<1x1280xf32> to vector<1xf32>
      %broadcast_in_dim3A_437 = vector.shape_cast %reduce_max3A_436 : vector<1xf32> to vector<1x1xf32>
      %eq3A_438 = vector.broadcast %broadcast_in_dim3A_437 : vector<1x1xf32> to vector<8x1280xf32>
      %eq3A_439 = arith.cmpf oeq, %min3A_429, %eq3A_438 : vector<8x1280xf32>
      %jit3A_440 = arith.constant 10240 : i32
      %broadcast_in_dim3A_441 = vector.broadcast %jit3A_440 : i32 to vector<8x1280xi32>
      %select_n3A_442 = arith.select %eq3A_439, %add3A, %broadcast_in_dim3A_441 : vector<8x1280xi1>, vector<8x1280xi32>
      %reduce_min3A_443 = arith.constant dense<2147483647> : vector<1280xi32>
      %reduce_min3A_444 = vector.multi_reduction <minsi>, %select_n3A_442, %reduce_min3A_443 [0] : vector<8x1280xi32> to vector<1280xi32>
      %broadcast_in_dim3A_445 = vector.shape_cast %reduce_min3A_444 : vector<1280xi32> to vector<1x1280xi32>
      %reduce_min3A_446 = arith.constant dense<2147483647> : vector<1xi32>
      %reduce_min3A_447 = vector.multi_reduction <minsi>, %broadcast_in_dim3A_445, %reduce_min3A_446 [1] : vector<1x1280xi32> to vector<1xi32>
      %broadcast_in_dim3A_448 = vector.shape_cast %reduce_min3A_447 : vector<1xi32> to vector<1x1xi32>
      %squeeze3A_449 = vector.extract %broadcast_in_dim3A_448[0, 0] : i32 from vector<1x1xi32>
      %get3A_450 = arith.constant 0 : index
      %get3A_451 = arith.index_cast %squeeze3A_449 : i32 to index
      %get3A_452 = memref.load %arg1[%get3A_450, %get3A_451] : memref<3x10240xf32, #tpu.memory_space<smem>>
      %get3A_453 = arith.constant 1 : index
      %get3A_454 = arith.index_cast %squeeze3A_449 : i32 to index
      %get3A_455 = memref.load %arg1[%get3A_453, %get3A_454] : memref<3x10240xf32, #tpu.memory_space<smem>>
      %get3A_456 = arith.constant 2 : index
      %get3A_457 = arith.index_cast %squeeze3A_449 : i32 to index
      %get3A_458 = memref.load %arg1[%get3A_456, %get3A_457] : memref<3x10240xf32, #tpu.memory_space<smem>>
      %sub3A_459 = vector.broadcast %get3A_452 : f32 to vector<8x1280xf32>
      %sub3A_460 = arith.subf %get3A_3, %sub3A_459 : vector<8x1280xf32>
      %sub3A_461 = vector.broadcast %get3A_455 : f32 to vector<8x1280xf32>
      %sub3A_462 = arith.subf %get3A_8, %sub3A_461 : vector<8x1280xf32>
      %sub3A_463 = vector.broadcast %get3A_458 : f32 to vector<8x1280xf32>
      %sub3A_464 = arith.subf %get3A_13, %sub3A_463 : vector<8x1280xf32>
      %mul3A_465 = arith.mulf %sub3A_460, %sub3A_460 : vector<8x1280xf32>
      %mul3A_466 = arith.mulf %sub3A_462, %sub3A_462 : vector<8x1280xf32>
      %add3A_467 = arith.addf %mul3A_465, %mul3A_466 : vector<8x1280xf32>
      %mul3A_468 = arith.mulf %sub3A_464, %sub3A_464 : vector<8x1280xf32>
      %add3A_469 = arith.addf %add3A_467, %mul3A_468 : vector<8x1280xf32>
      %swap3A_470 = arith.index_cast %scan3A_431 : i32 to index
      %swap3A_471 = memref.load %arg2[%swap3A_470] : memref<5000xi32, #tpu.memory_space<smem>>
      memref.store %squeeze3A_449, %arg2[%swap3A_470] : memref<5000xi32, #tpu.memory_space<smem>>
      %min3A_472 = arith.minimumf %min3A_429, %add3A_469 : vector<8x1280xf32>
      %scan3A_473 = arith.constant 3 : i32
      %scan3A_474 = arith.addi %scan3A_344, %scan3A_473 : i32
      %reduce_max3A_475 = arith.constant dense<0xFF800000> : vector<1280xf32>
      %reduce_max3A_476 = vector.multi_reduction <maximumf>, %min3A_472, %reduce_max3A_475 [0] : vector<8x1280xf32> to vector<1280xf32>
      %broadcast_in_dim3A_477 = vector.shape_cast %reduce_max3A_476 : vector<1280xf32> to vector<1x1280xf32>
      %reduce_max3A_478 = arith.constant dense<0xFF800000> : vector<1xf32>
      %reduce_max3A_479 = vector.multi_reduction <maximumf>, %broadcast_in_dim3A_477, %reduce_max3A_478 [1] : vector<1x1280xf32> to vector<1xf32>
      %broadcast_in_dim3A_480 = vector.shape_cast %reduce_max3A_479 : vector<1xf32> to vector<1x1xf32>
      %eq3A_481 = vector.broadcast %broadcast_in_dim3A_480 : vector<1x1xf32> to vector<8x1280xf32>
      %eq3A_482 = arith.cmpf oeq, %min3A_472, %eq3A_481 : vector<8x1280xf32>
      %jit3A_483 = arith.constant 10240 : i32
      %broadcast_in_dim3A_484 = vector.broadcast %jit3A_483 : i32 to vector<8x1280xi32>
      %select_n3A_485 = arith.select %eq3A_482, %add3A, %broadcast_in_dim3A_484 : vector<8x1280xi1>, vector<8x1280xi32>
      %reduce_min3A_486 = arith.constant dense<2147483647> : vector<1280xi32>
      %reduce_min3A_487 = vector.multi_reduction <minsi>, %select_n3A_485, %reduce_min3A_486 [0] : vector<8x1280xi32> to vector<1280xi32>
      %broadcast_in_dim3A_488 = vector.shape_cast %reduce_min3A_487 : vector<1280xi32> to vector<1x1280xi32>
      %reduce_min3A_489 = arith.constant dense<2147483647> : vector<1xi32>
      %reduce_min3A_490 = vector.multi_reduction <minsi>, %broadcast_in_dim3A_488, %reduce_min3A_489 [1] : vector<1x1280xi32> to vector<1xi32>
      %broadcast_in_dim3A_491 = vector.shape_cast %reduce_min3A_490 : vector<1xi32> to vector<1x1xi32>
      %squeeze3A_492 = vector.extract %broadcast_in_dim3A_491[0, 0] : i32 from vector<1x1xi32>
      %get3A_493 = arith.constant 0 : index
      %get3A_494 = arith.index_cast %squeeze3A_492 : i32 to index
      %get3A_495 = memref.load %arg1[%get3A_493, %get3A_494] : memref<3x10240xf32, #tpu.memory_space<smem>>
      %get3A_496 = arith.constant 1 : index
      %get3A_497 = arith.index_cast %squeeze3A_492 : i32 to index
      %get3A_498 = memref.load %arg1[%get3A_496, %get3A_497] : memref<3x10240xf32, #tpu.memory_space<smem>>
      %get3A_499 = arith.constant 2 : index
      %get3A_500 = arith.index_cast %squeeze3A_492 : i32 to index
      %get3A_501 = memref.load %arg1[%get3A_499, %get3A_500] : memref<3x10240xf32, #tpu.memory_space<smem>>
      %sub3A_502 = vector.broadcast %get3A_495 : f32 to vector<8x1280xf32>
      %sub3A_503 = arith.subf %get3A_3, %sub3A_502 : vector<8x1280xf32>
      %sub3A_504 = vector.broadcast %get3A_498 : f32 to vector<8x1280xf32>
      %sub3A_505 = arith.subf %get3A_8, %sub3A_504 : vector<8x1280xf32>
      %sub3A_506 = vector.broadcast %get3A_501 : f32 to vector<8x1280xf32>
      %sub3A_507 = arith.subf %get3A_13, %sub3A_506 : vector<8x1280xf32>
      %mul3A_508 = arith.mulf %sub3A_503, %sub3A_503 : vector<8x1280xf32>
      %mul3A_509 = arith.mulf %sub3A_505, %sub3A_505 : vector<8x1280xf32>
      %add3A_510 = arith.addf %mul3A_508, %mul3A_509 : vector<8x1280xf32>
      %mul3A_511 = arith.mulf %sub3A_507, %sub3A_507 : vector<8x1280xf32>
      %add3A_512 = arith.addf %add3A_510, %mul3A_511 : vector<8x1280xf32>
      %swap3A_513 = arith.index_cast %scan3A_474 : i32 to index
      %swap3A_514 = memref.load %arg2[%swap3A_513] : memref<5000xi32, #tpu.memory_space<smem>>
      memref.store %squeeze3A_492, %arg2[%swap3A_513] : memref<5000xi32, #tpu.memory_space<smem>>
      %min3A_515 = arith.minimumf %min3A_472, %add3A_512 : vector<8x1280xf32>
      %scan3A_516 = arith.constant 4 : i32
      %scan3A_517 = arith.addi %scan3A_344, %scan3A_516 : i32
      %reduce_max3A_518 = arith.constant dense<0xFF800000> : vector<1280xf32>
      %reduce_max3A_519 = vector.multi_reduction <maximumf>, %min3A_515, %reduce_max3A_518 [0] : vector<8x1280xf32> to vector<1280xf32>
      %broadcast_in_dim3A_520 = vector.shape_cast %reduce_max3A_519 : vector<1280xf32> to vector<1x1280xf32>
      %reduce_max3A_521 = arith.constant dense<0xFF800000> : vector<1xf32>
      %reduce_max3A_522 = vector.multi_reduction <maximumf>, %broadcast_in_dim3A_520, %reduce_max3A_521 [1] : vector<1x1280xf32> to vector<1xf32>
      %broadcast_in_dim3A_523 = vector.shape_cast %reduce_max3A_522 : vector<1xf32> to vector<1x1xf32>
      %eq3A_524 = vector.broadcast %broadcast_in_dim3A_523 : vector<1x1xf32> to vector<8x1280xf32>
      %eq3A_525 = arith.cmpf oeq, %min3A_515, %eq3A_524 : vector<8x1280xf32>
      %jit3A_526 = arith.constant 10240 : i32
      %broadcast_in_dim3A_527 = vector.broadcast %jit3A_526 : i32 to vector<8x1280xi32>
      %select_n3A_528 = arith.select %eq3A_525, %add3A, %broadcast_in_dim3A_527 : vector<8x1280xi1>, vector<8x1280xi32>
      %reduce_min3A_529 = arith.constant dense<2147483647> : vector<1280xi32>
      %reduce_min3A_530 = vector.multi_reduction <minsi>, %select_n3A_528, %reduce_min3A_529 [0] : vector<8x1280xi32> to vector<1280xi32>
      %broadcast_in_dim3A_531 = vector.shape_cast %reduce_min3A_530 : vector<1280xi32> to vector<1x1280xi32>
      %reduce_min3A_532 = arith.constant dense<2147483647> : vector<1xi32>
      %reduce_min3A_533 = vector.multi_reduction <minsi>, %broadcast_in_dim3A_531, %reduce_min3A_532 [1] : vector<1x1280xi32> to vector<1xi32>
      %broadcast_in_dim3A_534 = vector.shape_cast %reduce_min3A_533 : vector<1xi32> to vector<1x1xi32>
      %squeeze3A_535 = vector.extract %broadcast_in_dim3A_534[0, 0] : i32 from vector<1x1xi32>
      %get3A_536 = arith.constant 0 : index
      %get3A_537 = arith.index_cast %squeeze3A_535 : i32 to index
      %get3A_538 = memref.load %arg1[%get3A_536, %get3A_537] : memref<3x10240xf32, #tpu.memory_space<smem>>
      %get3A_539 = arith.constant 1 : index
      %get3A_540 = arith.index_cast %squeeze3A_535 : i32 to index
      %get3A_541 = memref.load %arg1[%get3A_539, %get3A_540] : memref<3x10240xf32, #tpu.memory_space<smem>>
      %get3A_542 = arith.constant 2 : index
      %get3A_543 = arith.index_cast %squeeze3A_535 : i32 to index
      %get3A_544 = memref.load %arg1[%get3A_542, %get3A_543] : memref<3x10240xf32, #tpu.memory_space<smem>>
      %sub3A_545 = vector.broadcast %get3A_538 : f32 to vector<8x1280xf32>
      %sub3A_546 = arith.subf %get3A_3, %sub3A_545 : vector<8x1280xf32>
      %sub3A_547 = vector.broadcast %get3A_541 : f32 to vector<8x1280xf32>
      %sub3A_548 = arith.subf %get3A_8, %sub3A_547 : vector<8x1280xf32>
      %sub3A_549 = vector.broadcast %get3A_544 : f32 to vector<8x1280xf32>
      %sub3A_550 = arith.subf %get3A_13, %sub3A_549 : vector<8x1280xf32>
      %mul3A_551 = arith.mulf %sub3A_546, %sub3A_546 : vector<8x1280xf32>
      %mul3A_552 = arith.mulf %sub3A_548, %sub3A_548 : vector<8x1280xf32>
      %add3A_553 = arith.addf %mul3A_551, %mul3A_552 : vector<8x1280xf32>
      %mul3A_554 = arith.mulf %sub3A_550, %sub3A_550 : vector<8x1280xf32>
      %add3A_555 = arith.addf %add3A_553, %mul3A_554 : vector<8x1280xf32>
      %swap3A_556 = arith.index_cast %scan3A_517 : i32 to index
      %swap3A_557 = memref.load %arg2[%swap3A_556] : memref<5000xi32, #tpu.memory_space<smem>>
      memref.store %squeeze3A_535, %arg2[%swap3A_556] : memref<5000xi32, #tpu.memory_space<smem>>
      %min3A_558 = arith.minimumf %min3A_515, %add3A_555 : vector<8x1280xf32>
      %scan3A_559 = arith.constant 5 : i32
      %scan3A_560 = arith.addi %scan3A_344, %scan3A_559 : i32
      %reduce_max3A_561 = arith.constant dense<0xFF800000> : vector<1280xf32>
      %reduce_max3A_562 = vector.multi_reduction <maximumf>, %min3A_558, %reduce_max3A_561 [0] : vector<8x1280xf32> to vector<1280xf32>
      %broadcast_in_dim3A_563 = vector.shape_cast %reduce_max3A_562 : vector<1280xf32> to vector<1x1280xf32>
      %reduce_max3A_564 = arith.constant dense<0xFF800000> : vector<1xf32>
      %reduce_max3A_565 = vector.multi_reduction <maximumf>, %broadcast_in_dim3A_563, %reduce_max3A_564 [1] : vector<1x1280xf32> to vector<1xf32>
      %broadcast_in_dim3A_566 = vector.shape_cast %reduce_max3A_565 : vector<1xf32> to vector<1x1xf32>
      %eq3A_567 = vector.broadcast %broadcast_in_dim3A_566 : vector<1x1xf32> to vector<8x1280xf32>
      %eq3A_568 = arith.cmpf oeq, %min3A_558, %eq3A_567 : vector<8x1280xf32>
      %jit3A_569 = arith.constant 10240 : i32
      %broadcast_in_dim3A_570 = vector.broadcast %jit3A_569 : i32 to vector<8x1280xi32>
      %select_n3A_571 = arith.select %eq3A_568, %add3A, %broadcast_in_dim3A_570 : vector<8x1280xi1>, vector<8x1280xi32>
      %reduce_min3A_572 = arith.constant dense<2147483647> : vector<1280xi32>
      %reduce_min3A_573 = vector.multi_reduction <minsi>, %select_n3A_571, %reduce_min3A_572 [0] : vector<8x1280xi32> to vector<1280xi32>
      %broadcast_in_dim3A_574 = vector.shape_cast %reduce_min3A_573 : vector<1280xi32> to vector<1x1280xi32>
      %reduce_min3A_575 = arith.constant dense<2147483647> : vector<1xi32>
      %reduce_min3A_576 = vector.multi_reduction <minsi>, %broadcast_in_dim3A_574, %reduce_min3A_575 [1] : vector<1x1280xi32> to vector<1xi32>
      %broadcast_in_dim3A_577 = vector.shape_cast %reduce_min3A_576 : vector<1xi32> to vector<1x1xi32>
      %squeeze3A_578 = vector.extract %broadcast_in_dim3A_577[0, 0] : i32 from vector<1x1xi32>
      %get3A_579 = arith.constant 0 : index
      %get3A_580 = arith.index_cast %squeeze3A_578 : i32 to index
      %get3A_581 = memref.load %arg1[%get3A_579, %get3A_580] : memref<3x10240xf32, #tpu.memory_space<smem>>
      %get3A_582 = arith.constant 1 : index
      %get3A_583 = arith.index_cast %squeeze3A_578 : i32 to index
      %get3A_584 = memref.load %arg1[%get3A_582, %get3A_583] : memref<3x10240xf32, #tpu.memory_space<smem>>
      %get3A_585 = arith.constant 2 : index
      %get3A_586 = arith.index_cast %squeeze3A_578 : i32 to index
      %get3A_587 = memref.load %arg1[%get3A_585, %get3A_586] : memref<3x10240xf32, #tpu.memory_space<smem>>
      %sub3A_588 = vector.broadcast %get3A_581 : f32 to vector<8x1280xf32>
      %sub3A_589 = arith.subf %get3A_3, %sub3A_588 : vector<8x1280xf32>
      %sub3A_590 = vector.broadcast %get3A_584 : f32 to vector<8x1280xf32>
      %sub3A_591 = arith.subf %get3A_8, %sub3A_590 : vector<8x1280xf32>
      %sub3A_592 = vector.broadcast %get3A_587 : f32 to vector<8x1280xf32>
      %sub3A_593 = arith.subf %get3A_13, %sub3A_592 : vector<8x1280xf32>
      %mul3A_594 = arith.mulf %sub3A_589, %sub3A_589 : vector<8x1280xf32>
      %mul3A_595 = arith.mulf %sub3A_591, %sub3A_591 : vector<8x1280xf32>
      %add3A_596 = arith.addf %mul3A_594, %mul3A_595 : vector<8x1280xf32>
      %mul3A_597 = arith.mulf %sub3A_593, %sub3A_593 : vector<8x1280xf32>
      %add3A_598 = arith.addf %add3A_596, %mul3A_597 : vector<8x1280xf32>
      %swap3A_599 = arith.index_cast %scan3A_560 : i32 to index
      %swap3A_600 = memref.load %arg2[%swap3A_599] : memref<5000xi32, #tpu.memory_space<smem>>
      memref.store %squeeze3A_578, %arg2[%swap3A_599] : memref<5000xi32, #tpu.memory_space<smem>>
      %min3A_601 = arith.minimumf %min3A_558, %add3A_598 : vector<8x1280xf32>
      %scan3A_602 = arith.constant 6 : i32
      %scan3A_603 = arith.addi %scan3A_344, %scan3A_602 : i32
      %reduce_max3A_604 = arith.constant dense<0xFF800000> : vector<1280xf32>
      %reduce_max3A_605 = vector.multi_reduction <maximumf>, %min3A_601, %reduce_max3A_604 [0] : vector<8x1280xf32> to vector<1280xf32>
      %broadcast_in_dim3A_606 = vector.shape_cast %reduce_max3A_605 : vector<1280xf32> to vector<1x1280xf32>
      %reduce_max3A_607 = arith.constant dense<0xFF800000> : vector<1xf32>
      %reduce_max3A_608 = vector.multi_reduction <maximumf>, %broadcast_in_dim3A_606, %reduce_max3A_607 [1] : vector<1x1280xf32> to vector<1xf32>
      %broadcast_in_dim3A_609 = vector.shape_cast %reduce_max3A_608 : vector<1xf32> to vector<1x1xf32>
      %eq3A_610 = vector.broadcast %broadcast_in_dim3A_609 : vector<1x1xf32> to vector<8x1280xf32>
      %eq3A_611 = arith.cmpf oeq, %min3A_601, %eq3A_610 : vector<8x1280xf32>
      %jit3A_612 = arith.constant 10240 : i32
      %broadcast_in_dim3A_613 = vector.broadcast %jit3A_612 : i32 to vector<8x1280xi32>
      %select_n3A_614 = arith.select %eq3A_611, %add3A, %broadcast_in_dim3A_613 : vector<8x1280xi1>, vector<8x1280xi32>
      %reduce_min3A_615 = arith.constant dense<2147483647> : vector<1280xi32>
      %reduce_min3A_616 = vector.multi_reduction <minsi>, %select_n3A_614, %reduce_min3A_615 [0] : vector<8x1280xi32> to vector<1280xi32>
      %broadcast_in_dim3A_617 = vector.shape_cast %reduce_min3A_616 : vector<1280xi32> to vector<1x1280xi32>
      %reduce_min3A_618 = arith.constant dense<2147483647> : vector<1xi32>
      %reduce_min3A_619 = vector.multi_reduction <minsi>, %broadcast_in_dim3A_617, %reduce_min3A_618 [1] : vector<1x1280xi32> to vector<1xi32>
      %broadcast_in_dim3A_620 = vector.shape_cast %reduce_min3A_619 : vector<1xi32> to vector<1x1xi32>
      %squeeze3A_621 = vector.extract %broadcast_in_dim3A_620[0, 0] : i32 from vector<1x1xi32>
      %get3A_622 = arith.constant 0 : index
      %get3A_623 = arith.index_cast %squeeze3A_621 : i32 to index
      %get3A_624 = memref.load %arg1[%get3A_622, %get3A_623] : memref<3x10240xf32, #tpu.memory_space<smem>>
      %get3A_625 = arith.constant 1 : index
      %get3A_626 = arith.index_cast %squeeze3A_621 : i32 to index
      %get3A_627 = memref.load %arg1[%get3A_625, %get3A_626] : memref<3x10240xf32, #tpu.memory_space<smem>>
      %get3A_628 = arith.constant 2 : index
      %get3A_629 = arith.index_cast %squeeze3A_621 : i32 to index
      %get3A_630 = memref.load %arg1[%get3A_628, %get3A_629] : memref<3x10240xf32, #tpu.memory_space<smem>>
      %sub3A_631 = vector.broadcast %get3A_624 : f32 to vector<8x1280xf32>
      %sub3A_632 = arith.subf %get3A_3, %sub3A_631 : vector<8x1280xf32>
      %sub3A_633 = vector.broadcast %get3A_627 : f32 to vector<8x1280xf32>
      %sub3A_634 = arith.subf %get3A_8, %sub3A_633 : vector<8x1280xf32>
      %sub3A_635 = vector.broadcast %get3A_630 : f32 to vector<8x1280xf32>
      %sub3A_636 = arith.subf %get3A_13, %sub3A_635 : vector<8x1280xf32>
      %mul3A_637 = arith.mulf %sub3A_632, %sub3A_632 : vector<8x1280xf32>
      %mul3A_638 = arith.mulf %sub3A_634, %sub3A_634 : vector<8x1280xf32>
      %add3A_639 = arith.addf %mul3A_637, %mul3A_638 : vector<8x1280xf32>
      %mul3A_640 = arith.mulf %sub3A_636, %sub3A_636 : vector<8x1280xf32>
      %add3A_641 = arith.addf %add3A_639, %mul3A_640 : vector<8x1280xf32>
      %swap3A_642 = arith.index_cast %scan3A_603 : i32 to index
      %swap3A_643 = memref.load %arg2[%swap3A_642] : memref<5000xi32, #tpu.memory_space<smem>>
      memref.store %squeeze3A_621, %arg2[%swap3A_642] : memref<5000xi32, #tpu.memory_space<smem>>
      %min3A_644 = arith.minimumf %min3A_601, %add3A_641 : vector<8x1280xf32>
      %scan3A_645 = arith.constant 7 : i32
      %scan3A_646 = arith.addi %scan3A_344, %scan3A_645 : i32
      %reduce_max3A_647 = arith.constant dense<0xFF800000> : vector<1280xf32>
      %reduce_max3A_648 = vector.multi_reduction <maximumf>, %min3A_644, %reduce_max3A_647 [0] : vector<8x1280xf32> to vector<1280xf32>
      %broadcast_in_dim3A_649 = vector.shape_cast %reduce_max3A_648 : vector<1280xf32> to vector<1x1280xf32>
      %reduce_max3A_650 = arith.constant dense<0xFF800000> : vector<1xf32>
      %reduce_max3A_651 = vector.multi_reduction <maximumf>, %broadcast_in_dim3A_649, %reduce_max3A_650 [1] : vector<1x1280xf32> to vector<1xf32>
      %broadcast_in_dim3A_652 = vector.shape_cast %reduce_max3A_651 : vector<1xf32> to vector<1x1xf32>
      %eq3A_653 = vector.broadcast %broadcast_in_dim3A_652 : vector<1x1xf32> to vector<8x1280xf32>
      %eq3A_654 = arith.cmpf oeq, %min3A_644, %eq3A_653 : vector<8x1280xf32>
      %jit3A_655 = arith.constant 10240 : i32
      %broadcast_in_dim3A_656 = vector.broadcast %jit3A_655 : i32 to vector<8x1280xi32>
      %select_n3A_657 = arith.select %eq3A_654, %add3A, %broadcast_in_dim3A_656 : vector<8x1280xi1>, vector<8x1280xi32>
      %reduce_min3A_658 = arith.constant dense<2147483647> : vector<1280xi32>
      %reduce_min3A_659 = vector.multi_reduction <minsi>, %select_n3A_657, %reduce_min3A_658 [0] : vector<8x1280xi32> to vector<1280xi32>
      %broadcast_in_dim3A_660 = vector.shape_cast %reduce_min3A_659 : vector<1280xi32> to vector<1x1280xi32>
      %reduce_min3A_661 = arith.constant dense<2147483647> : vector<1xi32>
      %reduce_min3A_662 = vector.multi_reduction <minsi>, %broadcast_in_dim3A_660, %reduce_min3A_661 [1] : vector<1x1280xi32> to vector<1xi32>
      %broadcast_in_dim3A_663 = vector.shape_cast %reduce_min3A_662 : vector<1xi32> to vector<1x1xi32>
      %squeeze3A_664 = vector.extract %broadcast_in_dim3A_663[0, 0] : i32 from vector<1x1xi32>
      %get3A_665 = arith.constant 0 : index
      %get3A_666 = arith.index_cast %squeeze3A_664 : i32 to index
      %get3A_667 = memref.load %arg1[%get3A_665, %get3A_666] : memref<3x10240xf32, #tpu.memory_space<smem>>
      %get3A_668 = arith.constant 1 : index
      %get3A_669 = arith.index_cast %squeeze3A_664 : i32 to index
      %get3A_670 = memref.load %arg1[%get3A_668, %get3A_669] : memref<3x10240xf32, #tpu.memory_space<smem>>
      %get3A_671 = arith.constant 2 : index
      %get3A_672 = arith.index_cast %squeeze3A_664 : i32 to index
      %get3A_673 = memref.load %arg1[%get3A_671, %get3A_672] : memref<3x10240xf32, #tpu.memory_space<smem>>
      %sub3A_674 = vector.broadcast %get3A_667 : f32 to vector<8x1280xf32>
      %sub3A_675 = arith.subf %get3A_3, %sub3A_674 : vector<8x1280xf32>
      %sub3A_676 = vector.broadcast %get3A_670 : f32 to vector<8x1280xf32>
      %sub3A_677 = arith.subf %get3A_8, %sub3A_676 : vector<8x1280xf32>
      %sub3A_678 = vector.broadcast %get3A_673 : f32 to vector<8x1280xf32>
      %sub3A_679 = arith.subf %get3A_13, %sub3A_678 : vector<8x1280xf32>
      %mul3A_680 = arith.mulf %sub3A_675, %sub3A_675 : vector<8x1280xf32>
      %mul3A_681 = arith.mulf %sub3A_677, %sub3A_677 : vector<8x1280xf32>
      %add3A_682 = arith.addf %mul3A_680, %mul3A_681 : vector<8x1280xf32>
      %mul3A_683 = arith.mulf %sub3A_679, %sub3A_679 : vector<8x1280xf32>
      %add3A_684 = arith.addf %add3A_682, %mul3A_683 : vector<8x1280xf32>
      %swap3A_685 = arith.index_cast %scan3A_646 : i32 to index
      %swap3A_686 = memref.load %arg2[%swap3A_685] : memref<5000xi32, #tpu.memory_space<smem>>
      memref.store %squeeze3A_664, %arg2[%swap3A_685] : memref<5000xi32, #tpu.memory_space<smem>>
      %min3A_687 = arith.minimumf %min3A_644, %add3A_684 : vector<8x1280xf32>
      scf.yield %min3A_687 : vector<8x1280xf32>
    }
    %scan3A_44 = arith.constant 4992 : i32
    %scan3A_45 = arith.addi %scan3A, %scan3A_44 : i32
    %reduce_max3A = arith.constant dense<0xFF800000> : vector<1280xf32>
    %reduce_max3A_46 = vector.multi_reduction <maximumf>, %scan3A_43, %reduce_max3A [0] : vector<8x1280xf32> to vector<1280xf32>
    %broadcast_in_dim3A_47 = vector.shape_cast %reduce_max3A_46 : vector<1280xf32> to vector<1x1280xf32>
    %reduce_max3A_48 = arith.constant dense<0xFF800000> : vector<1xf32>
    %reduce_max3A_49 = vector.multi_reduction <maximumf>, %broadcast_in_dim3A_47, %reduce_max3A_48 [1] : vector<1x1280xf32> to vector<1xf32>
    %broadcast_in_dim3A_50 = vector.shape_cast %reduce_max3A_49 : vector<1xf32> to vector<1x1xf32>
    %eq3A = vector.broadcast %broadcast_in_dim3A_50 : vector<1x1xf32> to vector<8x1280xf32>
    %eq3A_51 = arith.cmpf oeq, %scan3A_43, %eq3A : vector<8x1280xf32>
    %jit3A_52 = arith.constant 10240 : i32
    %broadcast_in_dim3A_53 = vector.broadcast %jit3A_52 : i32 to vector<8x1280xi32>
    %select_n3A_54 = arith.select %eq3A_51, %add3A, %broadcast_in_dim3A_53 : vector<8x1280xi1>, vector<8x1280xi32>
    %reduce_min3A = arith.constant dense<2147483647> : vector<1280xi32>
    %reduce_min3A_55 = vector.multi_reduction <minsi>, %select_n3A_54, %reduce_min3A [0] : vector<8x1280xi32> to vector<1280xi32>
    %broadcast_in_dim3A_56 = vector.shape_cast %reduce_min3A_55 : vector<1280xi32> to vector<1x1280xi32>
    %reduce_min3A_57 = arith.constant dense<2147483647> : vector<1xi32>
    %reduce_min3A_58 = vector.multi_reduction <minsi>, %broadcast_in_dim3A_56, %reduce_min3A_57 [1] : vector<1x1280xi32> to vector<1xi32>
    %broadcast_in_dim3A_59 = vector.shape_cast %reduce_min3A_58 : vector<1xi32> to vector<1x1xi32>
    %squeeze3A = vector.extract %broadcast_in_dim3A_59[0, 0] : i32 from vector<1x1xi32>
    %get3A_60 = arith.constant 0 : index
    %get3A_61 = arith.index_cast %squeeze3A : i32 to index
    %get3A_62 = memref.load %arg1[%get3A_60, %get3A_61] : memref<3x10240xf32, #tpu.memory_space<smem>>
    %get3A_63 = arith.constant 1 : index
    %get3A_64 = arith.index_cast %squeeze3A : i32 to index
    %get3A_65 = memref.load %arg1[%get3A_63, %get3A_64] : memref<3x10240xf32, #tpu.memory_space<smem>>
    %get3A_66 = arith.constant 2 : index
    %get3A_67 = arith.index_cast %squeeze3A : i32 to index
    %get3A_68 = memref.load %arg1[%get3A_66, %get3A_67] : memref<3x10240xf32, #tpu.memory_space<smem>>
    %sub3A_69 = vector.broadcast %get3A_62 : f32 to vector<8x1280xf32>
    %sub3A_70 = arith.subf %get3A_3, %sub3A_69 : vector<8x1280xf32>
    %sub3A_71 = vector.broadcast %get3A_65 : f32 to vector<8x1280xf32>
    %sub3A_72 = arith.subf %get3A_8, %sub3A_71 : vector<8x1280xf32>
    %sub3A_73 = vector.broadcast %get3A_68 : f32 to vector<8x1280xf32>
    %sub3A_74 = arith.subf %get3A_13, %sub3A_73 : vector<8x1280xf32>
    %mul3A_75 = arith.mulf %sub3A_70, %sub3A_70 : vector<8x1280xf32>
    %mul3A_76 = arith.mulf %sub3A_72, %sub3A_72 : vector<8x1280xf32>
    %add3A_77 = arith.addf %mul3A_75, %mul3A_76 : vector<8x1280xf32>
    %mul3A_78 = arith.mulf %sub3A_74, %sub3A_74 : vector<8x1280xf32>
    %add3A_79 = arith.addf %add3A_77, %mul3A_78 : vector<8x1280xf32>
    %swap3A_80 = arith.index_cast %scan3A_45 : i32 to index
    %swap3A_81 = memref.load %arg2[%swap3A_80] : memref<5000xi32, #tpu.memory_space<smem>>
    memref.store %squeeze3A, %arg2[%swap3A_80] : memref<5000xi32, #tpu.memory_space<smem>>
    %min3A = arith.minimumf %scan3A_43, %add3A_79 : vector<8x1280xf32>
    %scan3A_82 = arith.constant 4993 : i32
    %scan3A_83 = arith.addi %scan3A, %scan3A_82 : i32
    %reduce_max3A_84 = arith.constant dense<0xFF800000> : vector<1280xf32>
    %reduce_max3A_85 = vector.multi_reduction <maximumf>, %min3A, %reduce_max3A_84 [0] : vector<8x1280xf32> to vector<1280xf32>
    %broadcast_in_dim3A_86 = vector.shape_cast %reduce_max3A_85 : vector<1280xf32> to vector<1x1280xf32>
    %reduce_max3A_87 = arith.constant dense<0xFF800000> : vector<1xf32>
    %reduce_max3A_88 = vector.multi_reduction <maximumf>, %broadcast_in_dim3A_86, %reduce_max3A_87 [1] : vector<1x1280xf32> to vector<1xf32>
    %broadcast_in_dim3A_89 = vector.shape_cast %reduce_max3A_88 : vector<1xf32> to vector<1x1xf32>
    %eq3A_90 = vector.broadcast %broadcast_in_dim3A_89 : vector<1x1xf32> to vector<8x1280xf32>
    %eq3A_91 = arith.cmpf oeq, %min3A, %eq3A_90 : vector<8x1280xf32>
    %jit3A_92 = arith.constant 10240 : i32
    %broadcast_in_dim3A_93 = vector.broadcast %jit3A_92 : i32 to vector<8x1280xi32>
    %select_n3A_94 = arith.select %eq3A_91, %add3A, %broadcast_in_dim3A_93 : vector<8x1280xi1>, vector<8x1280xi32>
    %reduce_min3A_95 = arith.constant dense<2147483647> : vector<1280xi32>
    %reduce_min3A_96 = vector.multi_reduction <minsi>, %select_n3A_94, %reduce_min3A_95 [0] : vector<8x1280xi32> to vector<1280xi32>
    %broadcast_in_dim3A_97 = vector.shape_cast %reduce_min3A_96 : vector<1280xi32> to vector<1x1280xi32>
    %reduce_min3A_98 = arith.constant dense<2147483647> : vector<1xi32>
    %reduce_min3A_99 = vector.multi_reduction <minsi>, %broadcast_in_dim3A_97, %reduce_min3A_98 [1] : vector<1x1280xi32> to vector<1xi32>
    %broadcast_in_dim3A_100 = vector.shape_cast %reduce_min3A_99 : vector<1xi32> to vector<1x1xi32>
    %squeeze3A_101 = vector.extract %broadcast_in_dim3A_100[0, 0] : i32 from vector<1x1xi32>
    %get3A_102 = arith.constant 0 : index
    %get3A_103 = arith.index_cast %squeeze3A_101 : i32 to index
    %get3A_104 = memref.load %arg1[%get3A_102, %get3A_103] : memref<3x10240xf32, #tpu.memory_space<smem>>
    %get3A_105 = arith.constant 1 : index
    %get3A_106 = arith.index_cast %squeeze3A_101 : i32 to index
    %get3A_107 = memref.load %arg1[%get3A_105, %get3A_106] : memref<3x10240xf32, #tpu.memory_space<smem>>
    %get3A_108 = arith.constant 2 : index
    %get3A_109 = arith.index_cast %squeeze3A_101 : i32 to index
    %get3A_110 = memref.load %arg1[%get3A_108, %get3A_109] : memref<3x10240xf32, #tpu.memory_space<smem>>
    %sub3A_111 = vector.broadcast %get3A_104 : f32 to vector<8x1280xf32>
    %sub3A_112 = arith.subf %get3A_3, %sub3A_111 : vector<8x1280xf32>
    %sub3A_113 = vector.broadcast %get3A_107 : f32 to vector<8x1280xf32>
    %sub3A_114 = arith.subf %get3A_8, %sub3A_113 : vector<8x1280xf32>
    %sub3A_115 = vector.broadcast %get3A_110 : f32 to vector<8x1280xf32>
    %sub3A_116 = arith.subf %get3A_13, %sub3A_115 : vector<8x1280xf32>
    %mul3A_117 = arith.mulf %sub3A_112, %sub3A_112 : vector<8x1280xf32>
    %mul3A_118 = arith.mulf %sub3A_114, %sub3A_114 : vector<8x1280xf32>
    %add3A_119 = arith.addf %mul3A_117, %mul3A_118 : vector<8x1280xf32>
    %mul3A_120 = arith.mulf %sub3A_116, %sub3A_116 : vector<8x1280xf32>
    %add3A_121 = arith.addf %add3A_119, %mul3A_120 : vector<8x1280xf32>
    %swap3A_122 = arith.index_cast %scan3A_83 : i32 to index
    %swap3A_123 = memref.load %arg2[%swap3A_122] : memref<5000xi32, #tpu.memory_space<smem>>
    memref.store %squeeze3A_101, %arg2[%swap3A_122] : memref<5000xi32, #tpu.memory_space<smem>>
    %min3A_124 = arith.minimumf %min3A, %add3A_121 : vector<8x1280xf32>
    %scan3A_125 = arith.constant 4994 : i32
    %scan3A_126 = arith.addi %scan3A, %scan3A_125 : i32
    %reduce_max3A_127 = arith.constant dense<0xFF800000> : vector<1280xf32>
    %reduce_max3A_128 = vector.multi_reduction <maximumf>, %min3A_124, %reduce_max3A_127 [0] : vector<8x1280xf32> to vector<1280xf32>
    %broadcast_in_dim3A_129 = vector.shape_cast %reduce_max3A_128 : vector<1280xf32> to vector<1x1280xf32>
    %reduce_max3A_130 = arith.constant dense<0xFF800000> : vector<1xf32>
    %reduce_max3A_131 = vector.multi_reduction <maximumf>, %broadcast_in_dim3A_129, %reduce_max3A_130 [1] : vector<1x1280xf32> to vector<1xf32>
    %broadcast_in_dim3A_132 = vector.shape_cast %reduce_max3A_131 : vector<1xf32> to vector<1x1xf32>
    %eq3A_133 = vector.broadcast %broadcast_in_dim3A_132 : vector<1x1xf32> to vector<8x1280xf32>
    %eq3A_134 = arith.cmpf oeq, %min3A_124, %eq3A_133 : vector<8x1280xf32>
    %jit3A_135 = arith.constant 10240 : i32
    %broadcast_in_dim3A_136 = vector.broadcast %jit3A_135 : i32 to vector<8x1280xi32>
    %select_n3A_137 = arith.select %eq3A_134, %add3A, %broadcast_in_dim3A_136 : vector<8x1280xi1>, vector<8x1280xi32>
    %reduce_min3A_138 = arith.constant dense<2147483647> : vector<1280xi32>
    %reduce_min3A_139 = vector.multi_reduction <minsi>, %select_n3A_137, %reduce_min3A_138 [0] : vector<8x1280xi32> to vector<1280xi32>
    %broadcast_in_dim3A_140 = vector.shape_cast %reduce_min3A_139 : vector<1280xi32> to vector<1x1280xi32>
    %reduce_min3A_141 = arith.constant dense<2147483647> : vector<1xi32>
    %reduce_min3A_142 = vector.multi_reduction <minsi>, %broadcast_in_dim3A_140, %reduce_min3A_141 [1] : vector<1x1280xi32> to vector<1xi32>
    %broadcast_in_dim3A_143 = vector.shape_cast %reduce_min3A_142 : vector<1xi32> to vector<1x1xi32>
    %squeeze3A_144 = vector.extract %broadcast_in_dim3A_143[0, 0] : i32 from vector<1x1xi32>
    %get3A_145 = arith.constant 0 : index
    %get3A_146 = arith.index_cast %squeeze3A_144 : i32 to index
    %get3A_147 = memref.load %arg1[%get3A_145, %get3A_146] : memref<3x10240xf32, #tpu.memory_space<smem>>
    %get3A_148 = arith.constant 1 : index
    %get3A_149 = arith.index_cast %squeeze3A_144 : i32 to index
    %get3A_150 = memref.load %arg1[%get3A_148, %get3A_149] : memref<3x10240xf32, #tpu.memory_space<smem>>
    %get3A_151 = arith.constant 2 : index
    %get3A_152 = arith.index_cast %squeeze3A_144 : i32 to index
    %get3A_153 = memref.load %arg1[%get3A_151, %get3A_152] : memref<3x10240xf32, #tpu.memory_space<smem>>
    %sub3A_154 = vector.broadcast %get3A_147 : f32 to vector<8x1280xf32>
    %sub3A_155 = arith.subf %get3A_3, %sub3A_154 : vector<8x1280xf32>
    %sub3A_156 = vector.broadcast %get3A_150 : f32 to vector<8x1280xf32>
    %sub3A_157 = arith.subf %get3A_8, %sub3A_156 : vector<8x1280xf32>
    %sub3A_158 = vector.broadcast %get3A_153 : f32 to vector<8x1280xf32>
    %sub3A_159 = arith.subf %get3A_13, %sub3A_158 : vector<8x1280xf32>
    %mul3A_160 = arith.mulf %sub3A_155, %sub3A_155 : vector<8x1280xf32>
    %mul3A_161 = arith.mulf %sub3A_157, %sub3A_157 : vector<8x1280xf32>
    %add3A_162 = arith.addf %mul3A_160, %mul3A_161 : vector<8x1280xf32>
    %mul3A_163 = arith.mulf %sub3A_159, %sub3A_159 : vector<8x1280xf32>
    %add3A_164 = arith.addf %add3A_162, %mul3A_163 : vector<8x1280xf32>
    %swap3A_165 = arith.index_cast %scan3A_126 : i32 to index
    %swap3A_166 = memref.load %arg2[%swap3A_165] : memref<5000xi32, #tpu.memory_space<smem>>
    memref.store %squeeze3A_144, %arg2[%swap3A_165] : memref<5000xi32, #tpu.memory_space<smem>>
    %min3A_167 = arith.minimumf %min3A_124, %add3A_164 : vector<8x1280xf32>
    %scan3A_168 = arith.constant 4995 : i32
    %scan3A_169 = arith.addi %scan3A, %scan3A_168 : i32
    %reduce_max3A_170 = arith.constant dense<0xFF800000> : vector<1280xf32>
    %reduce_max3A_171 = vector.multi_reduction <maximumf>, %min3A_167, %reduce_max3A_170 [0] : vector<8x1280xf32> to vector<1280xf32>
    %broadcast_in_dim3A_172 = vector.shape_cast %reduce_max3A_171 : vector<1280xf32> to vector<1x1280xf32>
    %reduce_max3A_173 = arith.constant dense<0xFF800000> : vector<1xf32>
    %reduce_max3A_174 = vector.multi_reduction <maximumf>, %broadcast_in_dim3A_172, %reduce_max3A_173 [1] : vector<1x1280xf32> to vector<1xf32>
    %broadcast_in_dim3A_175 = vector.shape_cast %reduce_max3A_174 : vector<1xf32> to vector<1x1xf32>
    %eq3A_176 = vector.broadcast %broadcast_in_dim3A_175 : vector<1x1xf32> to vector<8x1280xf32>
    %eq3A_177 = arith.cmpf oeq, %min3A_167, %eq3A_176 : vector<8x1280xf32>
    %jit3A_178 = arith.constant 10240 : i32
    %broadcast_in_dim3A_179 = vector.broadcast %jit3A_178 : i32 to vector<8x1280xi32>
    %select_n3A_180 = arith.select %eq3A_177, %add3A, %broadcast_in_dim3A_179 : vector<8x1280xi1>, vector<8x1280xi32>
    %reduce_min3A_181 = arith.constant dense<2147483647> : vector<1280xi32>
    %reduce_min3A_182 = vector.multi_reduction <minsi>, %select_n3A_180, %reduce_min3A_181 [0] : vector<8x1280xi32> to vector<1280xi32>
    %broadcast_in_dim3A_183 = vector.shape_cast %reduce_min3A_182 : vector<1280xi32> to vector<1x1280xi32>
    %reduce_min3A_184 = arith.constant dense<2147483647> : vector<1xi32>
    %reduce_min3A_185 = vector.multi_reduction <minsi>, %broadcast_in_dim3A_183, %reduce_min3A_184 [1] : vector<1x1280xi32> to vector<1xi32>
    %broadcast_in_dim3A_186 = vector.shape_cast %reduce_min3A_185 : vector<1xi32> to vector<1x1xi32>
    %squeeze3A_187 = vector.extract %broadcast_in_dim3A_186[0, 0] : i32 from vector<1x1xi32>
    %get3A_188 = arith.constant 0 : index
    %get3A_189 = arith.index_cast %squeeze3A_187 : i32 to index
    %get3A_190 = memref.load %arg1[%get3A_188, %get3A_189] : memref<3x10240xf32, #tpu.memory_space<smem>>
    %get3A_191 = arith.constant 1 : index
    %get3A_192 = arith.index_cast %squeeze3A_187 : i32 to index
    %get3A_193 = memref.load %arg1[%get3A_191, %get3A_192] : memref<3x10240xf32, #tpu.memory_space<smem>>
    %get3A_194 = arith.constant 2 : index
    %get3A_195 = arith.index_cast %squeeze3A_187 : i32 to index
    %get3A_196 = memref.load %arg1[%get3A_194, %get3A_195] : memref<3x10240xf32, #tpu.memory_space<smem>>
    %sub3A_197 = vector.broadcast %get3A_190 : f32 to vector<8x1280xf32>
    %sub3A_198 = arith.subf %get3A_3, %sub3A_197 : vector<8x1280xf32>
    %sub3A_199 = vector.broadcast %get3A_193 : f32 to vector<8x1280xf32>
    %sub3A_200 = arith.subf %get3A_8, %sub3A_199 : vector<8x1280xf32>
    %sub3A_201 = vector.broadcast %get3A_196 : f32 to vector<8x1280xf32>
    %sub3A_202 = arith.subf %get3A_13, %sub3A_201 : vector<8x1280xf32>
    %mul3A_203 = arith.mulf %sub3A_198, %sub3A_198 : vector<8x1280xf32>
    %mul3A_204 = arith.mulf %sub3A_200, %sub3A_200 : vector<8x1280xf32>
    %add3A_205 = arith.addf %mul3A_203, %mul3A_204 : vector<8x1280xf32>
    %mul3A_206 = arith.mulf %sub3A_202, %sub3A_202 : vector<8x1280xf32>
    %add3A_207 = arith.addf %add3A_205, %mul3A_206 : vector<8x1280xf32>
    %swap3A_208 = arith.index_cast %scan3A_169 : i32 to index
    %swap3A_209 = memref.load %arg2[%swap3A_208] : memref<5000xi32, #tpu.memory_space<smem>>
    memref.store %squeeze3A_187, %arg2[%swap3A_208] : memref<5000xi32, #tpu.memory_space<smem>>
    %min3A_210 = arith.minimumf %min3A_167, %add3A_207 : vector<8x1280xf32>
    %scan3A_211 = arith.constant 4996 : i32
    %scan3A_212 = arith.addi %scan3A, %scan3A_211 : i32
    %reduce_max3A_213 = arith.constant dense<0xFF800000> : vector<1280xf32>
    %reduce_max3A_214 = vector.multi_reduction <maximumf>, %min3A_210, %reduce_max3A_213 [0] : vector<8x1280xf32> to vector<1280xf32>
    %broadcast_in_dim3A_215 = vector.shape_cast %reduce_max3A_214 : vector<1280xf32> to vector<1x1280xf32>
    %reduce_max3A_216 = arith.constant dense<0xFF800000> : vector<1xf32>
    %reduce_max3A_217 = vector.multi_reduction <maximumf>, %broadcast_in_dim3A_215, %reduce_max3A_216 [1] : vector<1x1280xf32> to vector<1xf32>
    %broadcast_in_dim3A_218 = vector.shape_cast %reduce_max3A_217 : vector<1xf32> to vector<1x1xf32>
    %eq3A_219 = vector.broadcast %broadcast_in_dim3A_218 : vector<1x1xf32> to vector<8x1280xf32>
    %eq3A_220 = arith.cmpf oeq, %min3A_210, %eq3A_219 : vector<8x1280xf32>
    %jit3A_221 = arith.constant 10240 : i32
    %broadcast_in_dim3A_222 = vector.broadcast %jit3A_221 : i32 to vector<8x1280xi32>
    %select_n3A_223 = arith.select %eq3A_220, %add3A, %broadcast_in_dim3A_222 : vector<8x1280xi1>, vector<8x1280xi32>
    %reduce_min3A_224 = arith.constant dense<2147483647> : vector<1280xi32>
    %reduce_min3A_225 = vector.multi_reduction <minsi>, %select_n3A_223, %reduce_min3A_224 [0] : vector<8x1280xi32> to vector<1280xi32>
    %broadcast_in_dim3A_226 = vector.shape_cast %reduce_min3A_225 : vector<1280xi32> to vector<1x1280xi32>
    %reduce_min3A_227 = arith.constant dense<2147483647> : vector<1xi32>
    %reduce_min3A_228 = vector.multi_reduction <minsi>, %broadcast_in_dim3A_226, %reduce_min3A_227 [1] : vector<1x1280xi32> to vector<1xi32>
    %broadcast_in_dim3A_229 = vector.shape_cast %reduce_min3A_228 : vector<1xi32> to vector<1x1xi32>
    %squeeze3A_230 = vector.extract %broadcast_in_dim3A_229[0, 0] : i32 from vector<1x1xi32>
    %get3A_231 = arith.constant 0 : index
    %get3A_232 = arith.index_cast %squeeze3A_230 : i32 to index
    %get3A_233 = memref.load %arg1[%get3A_231, %get3A_232] : memref<3x10240xf32, #tpu.memory_space<smem>>
    %get3A_234 = arith.constant 1 : index
    %get3A_235 = arith.index_cast %squeeze3A_230 : i32 to index
    %get3A_236 = memref.load %arg1[%get3A_234, %get3A_235] : memref<3x10240xf32, #tpu.memory_space<smem>>
    %get3A_237 = arith.constant 2 : index
    %get3A_238 = arith.index_cast %squeeze3A_230 : i32 to index
    %get3A_239 = memref.load %arg1[%get3A_237, %get3A_238] : memref<3x10240xf32, #tpu.memory_space<smem>>
    %sub3A_240 = vector.broadcast %get3A_233 : f32 to vector<8x1280xf32>
    %sub3A_241 = arith.subf %get3A_3, %sub3A_240 : vector<8x1280xf32>
    %sub3A_242 = vector.broadcast %get3A_236 : f32 to vector<8x1280xf32>
    %sub3A_243 = arith.subf %get3A_8, %sub3A_242 : vector<8x1280xf32>
    %sub3A_244 = vector.broadcast %get3A_239 : f32 to vector<8x1280xf32>
    %sub3A_245 = arith.subf %get3A_13, %sub3A_244 : vector<8x1280xf32>
    %mul3A_246 = arith.mulf %sub3A_241, %sub3A_241 : vector<8x1280xf32>
    %mul3A_247 = arith.mulf %sub3A_243, %sub3A_243 : vector<8x1280xf32>
    %add3A_248 = arith.addf %mul3A_246, %mul3A_247 : vector<8x1280xf32>
    %mul3A_249 = arith.mulf %sub3A_245, %sub3A_245 : vector<8x1280xf32>
    %add3A_250 = arith.addf %add3A_248, %mul3A_249 : vector<8x1280xf32>
    %swap3A_251 = arith.index_cast %scan3A_212 : i32 to index
    %swap3A_252 = memref.load %arg2[%swap3A_251] : memref<5000xi32, #tpu.memory_space<smem>>
    memref.store %squeeze3A_230, %arg2[%swap3A_251] : memref<5000xi32, #tpu.memory_space<smem>>
    %min3A_253 = arith.minimumf %min3A_210, %add3A_250 : vector<8x1280xf32>
    %scan3A_254 = arith.constant 4997 : i32
    %scan3A_255 = arith.addi %scan3A, %scan3A_254 : i32
    %reduce_max3A_256 = arith.constant dense<0xFF800000> : vector<1280xf32>
    %reduce_max3A_257 = vector.multi_reduction <maximumf>, %min3A_253, %reduce_max3A_256 [0] : vector<8x1280xf32> to vector<1280xf32>
    %broadcast_in_dim3A_258 = vector.shape_cast %reduce_max3A_257 : vector<1280xf32> to vector<1x1280xf32>
    %reduce_max3A_259 = arith.constant dense<0xFF800000> : vector<1xf32>
    %reduce_max3A_260 = vector.multi_reduction <maximumf>, %broadcast_in_dim3A_258, %reduce_max3A_259 [1] : vector<1x1280xf32> to vector<1xf32>
    %broadcast_in_dim3A_261 = vector.shape_cast %reduce_max3A_260 : vector<1xf32> to vector<1x1xf32>
    %eq3A_262 = vector.broadcast %broadcast_in_dim3A_261 : vector<1x1xf32> to vector<8x1280xf32>
    %eq3A_263 = arith.cmpf oeq, %min3A_253, %eq3A_262 : vector<8x1280xf32>
    %jit3A_264 = arith.constant 10240 : i32
    %broadcast_in_dim3A_265 = vector.broadcast %jit3A_264 : i32 to vector<8x1280xi32>
    %select_n3A_266 = arith.select %eq3A_263, %add3A, %broadcast_in_dim3A_265 : vector<8x1280xi1>, vector<8x1280xi32>
    %reduce_min3A_267 = arith.constant dense<2147483647> : vector<1280xi32>
    %reduce_min3A_268 = vector.multi_reduction <minsi>, %select_n3A_266, %reduce_min3A_267 [0] : vector<8x1280xi32> to vector<1280xi32>
    %broadcast_in_dim3A_269 = vector.shape_cast %reduce_min3A_268 : vector<1280xi32> to vector<1x1280xi32>
    %reduce_min3A_270 = arith.constant dense<2147483647> : vector<1xi32>
    %reduce_min3A_271 = vector.multi_reduction <minsi>, %broadcast_in_dim3A_269, %reduce_min3A_270 [1] : vector<1x1280xi32> to vector<1xi32>
    %broadcast_in_dim3A_272 = vector.shape_cast %reduce_min3A_271 : vector<1xi32> to vector<1x1xi32>
    %squeeze3A_273 = vector.extract %broadcast_in_dim3A_272[0, 0] : i32 from vector<1x1xi32>
    %get3A_274 = arith.constant 0 : index
    %get3A_275 = arith.index_cast %squeeze3A_273 : i32 to index
    %get3A_276 = memref.load %arg1[%get3A_274, %get3A_275] : memref<3x10240xf32, #tpu.memory_space<smem>>
    %get3A_277 = arith.constant 1 : index
    %get3A_278 = arith.index_cast %squeeze3A_273 : i32 to index
    %get3A_279 = memref.load %arg1[%get3A_277, %get3A_278] : memref<3x10240xf32, #tpu.memory_space<smem>>
    %get3A_280 = arith.constant 2 : index
    %get3A_281 = arith.index_cast %squeeze3A_273 : i32 to index
    %get3A_282 = memref.load %arg1[%get3A_280, %get3A_281] : memref<3x10240xf32, #tpu.memory_space<smem>>
    %sub3A_283 = vector.broadcast %get3A_276 : f32 to vector<8x1280xf32>
    %sub3A_284 = arith.subf %get3A_3, %sub3A_283 : vector<8x1280xf32>
    %sub3A_285 = vector.broadcast %get3A_279 : f32 to vector<8x1280xf32>
    %sub3A_286 = arith.subf %get3A_8, %sub3A_285 : vector<8x1280xf32>
    %sub3A_287 = vector.broadcast %get3A_282 : f32 to vector<8x1280xf32>
    %sub3A_288 = arith.subf %get3A_13, %sub3A_287 : vector<8x1280xf32>
    %mul3A_289 = arith.mulf %sub3A_284, %sub3A_284 : vector<8x1280xf32>
    %mul3A_290 = arith.mulf %sub3A_286, %sub3A_286 : vector<8x1280xf32>
    %add3A_291 = arith.addf %mul3A_289, %mul3A_290 : vector<8x1280xf32>
    %mul3A_292 = arith.mulf %sub3A_288, %sub3A_288 : vector<8x1280xf32>
    %add3A_293 = arith.addf %add3A_291, %mul3A_292 : vector<8x1280xf32>
    %swap3A_294 = arith.index_cast %scan3A_255 : i32 to index
    %swap3A_295 = memref.load %arg2[%swap3A_294] : memref<5000xi32, #tpu.memory_space<smem>>
    memref.store %squeeze3A_273, %arg2[%swap3A_294] : memref<5000xi32, #tpu.memory_space<smem>>
    %min3A_296 = arith.minimumf %min3A_253, %add3A_293 : vector<8x1280xf32>
    %scan3A_297 = arith.constant 4998 : i32
    %scan3A_298 = arith.addi %scan3A, %scan3A_297 : i32
    %reduce_max3A_299 = arith.constant dense<0xFF800000> : vector<1280xf32>
    %reduce_max3A_300 = vector.multi_reduction <maximumf>, %min3A_296, %reduce_max3A_299 [0] : vector<8x1280xf32> to vector<1280xf32>
    %broadcast_in_dim3A_301 = vector.shape_cast %reduce_max3A_300 : vector<1280xf32> to vector<1x1280xf32>
    %reduce_max3A_302 = arith.constant dense<0xFF800000> : vector<1xf32>
    %reduce_max3A_303 = vector.multi_reduction <maximumf>, %broadcast_in_dim3A_301, %reduce_max3A_302 [1] : vector<1x1280xf32> to vector<1xf32>
    %broadcast_in_dim3A_304 = vector.shape_cast %reduce_max3A_303 : vector<1xf32> to vector<1x1xf32>
    %eq3A_305 = vector.broadcast %broadcast_in_dim3A_304 : vector<1x1xf32> to vector<8x1280xf32>
    %eq3A_306 = arith.cmpf oeq, %min3A_296, %eq3A_305 : vector<8x1280xf32>
    %jit3A_307 = arith.constant 10240 : i32
    %broadcast_in_dim3A_308 = vector.broadcast %jit3A_307 : i32 to vector<8x1280xi32>
    %select_n3A_309 = arith.select %eq3A_306, %add3A, %broadcast_in_dim3A_308 : vector<8x1280xi1>, vector<8x1280xi32>
    %reduce_min3A_310 = arith.constant dense<2147483647> : vector<1280xi32>
    %reduce_min3A_311 = vector.multi_reduction <minsi>, %select_n3A_309, %reduce_min3A_310 [0] : vector<8x1280xi32> to vector<1280xi32>
    %broadcast_in_dim3A_312 = vector.shape_cast %reduce_min3A_311 : vector<1280xi32> to vector<1x1280xi32>
    %reduce_min3A_313 = arith.constant dense<2147483647> : vector<1xi32>
    %reduce_min3A_314 = vector.multi_reduction <minsi>, %broadcast_in_dim3A_312, %reduce_min3A_313 [1] : vector<1x1280xi32> to vector<1xi32>
    %broadcast_in_dim3A_315 = vector.shape_cast %reduce_min3A_314 : vector<1xi32> to vector<1x1xi32>
    %squeeze3A_316 = vector.extract %broadcast_in_dim3A_315[0, 0] : i32 from vector<1x1xi32>
    %get3A_317 = arith.constant 0 : index
    %get3A_318 = arith.index_cast %squeeze3A_316 : i32 to index
    %get3A_319 = memref.load %arg1[%get3A_317, %get3A_318] : memref<3x10240xf32, #tpu.memory_space<smem>>
    %get3A_320 = arith.constant 1 : index
    %get3A_321 = arith.index_cast %squeeze3A_316 : i32 to index
    %get3A_322 = memref.load %arg1[%get3A_320, %get3A_321] : memref<3x10240xf32, #tpu.memory_space<smem>>
    %get3A_323 = arith.constant 2 : index
    %get3A_324 = arith.index_cast %squeeze3A_316 : i32 to index
    %get3A_325 = memref.load %arg1[%get3A_323, %get3A_324] : memref<3x10240xf32, #tpu.memory_space<smem>>
    %sub3A_326 = vector.broadcast %get3A_319 : f32 to vector<8x1280xf32>
    %sub3A_327 = arith.subf %get3A_3, %sub3A_326 : vector<8x1280xf32>
    %sub3A_328 = vector.broadcast %get3A_322 : f32 to vector<8x1280xf32>
    %sub3A_329 = arith.subf %get3A_8, %sub3A_328 : vector<8x1280xf32>
    %sub3A_330 = vector.broadcast %get3A_325 : f32 to vector<8x1280xf32>
    %sub3A_331 = arith.subf %get3A_13, %sub3A_330 : vector<8x1280xf32>
    %mul3A_332 = arith.mulf %sub3A_327, %sub3A_327 : vector<8x1280xf32>
    %mul3A_333 = arith.mulf %sub3A_329, %sub3A_329 : vector<8x1280xf32>
    %add3A_334 = arith.addf %mul3A_332, %mul3A_333 : vector<8x1280xf32>
    %mul3A_335 = arith.mulf %sub3A_331, %sub3A_331 : vector<8x1280xf32>
    %add3A_336 = arith.addf %add3A_334, %mul3A_335 : vector<8x1280xf32>
    %swap3A_337 = arith.index_cast %scan3A_298 : i32 to index
    %swap3A_338 = memref.load %arg2[%swap3A_337] : memref<5000xi32, #tpu.memory_space<smem>>
    memref.store %squeeze3A_316, %arg2[%swap3A_337] : memref<5000xi32, #tpu.memory_space<smem>>
    %min3A_339 = arith.minimumf %min3A_296, %add3A_336 : vector<8x1280xf32>
    %scan3A_340 = arith.constant 4999 : i32
    %swap3A_341 = arith.constant 0 : index
    %swap3A_342 = arith.constant 0 : index
    %swap3A_343 = vector.load %arg3[%swap3A_341, %swap3A_342] : memref<8x1280xf32, #tpu.memory_space<vmem>>, vector<8x1280xf32>
    tpu.vector_store %arg3[%swap3A_341, %swap3A_342], %min3A_339 {strides = array<i32>} : memref<8x1280xf32, #tpu.memory_space<vmem>>, vector<8x1280xf32>,
    return
  }
}

module attributes {stable_mosaic.version = 14 : i64} {
  func.func @_knn_body(%arg0: i32, %arg1: memref<256x128xf32, #tpu.memory_space<vmem>>, %arg2: memref<16x10240xf32, #tpu.memory_space<vmem>>, %arg3: memref<256x16xi32, #tpu.memory_space<vmem>>, %arg4: memref<256x16xi32, #tpu.memory_space<vmem>>, %arg5: memref<256x10240xf32, #tpu.memory_space<vmem>>) attributes {dimension_semantics = [#tpu.dimension_semantics<arbitrary>], iteration_bounds = array<i64: 20>, scalar_prefetch = 0 : i64, scratch_operands = 1 : i64, tpu.core_type = #tpu.core_type<tc>, window_params = [{transform_indices = @transform_0, window_bounds = array<i64: 256, 128>}, {pipeline_mode = #tpu.pipeline_mode<synchronous>, transform_indices = @transform_1, window_bounds = array<i64: 16, 10240>}, {transform_indices = @transform_2, window_bounds = array<i64: 256, 16>}, {transform_indices = @transform_3, window_bounds = array<i64: 256, 16>}]} {
    %get3A = arith.constant 0 : index
    %get3A_0 = arith.constant 0 : index
    %get3A_1 = vector.load %arg1[%get3A, %get3A_0] : memref<256x128xf32, #tpu.memory_space<vmem>>, vector<256x128xf32>
    %slice3A = vector.extract_strided_slice %get3A_1 {offsets = [0, 0], sizes = [256, 16], strides = [1, 1]} : vector<256x128xf32> to vector<256x16xf32>
    %get3A_2 = arith.constant 0 : index
    %get3A_3 = arith.constant 0 : index
    %get3A_4 = vector.load %arg2[%get3A_2, %get3A_3] : memref<16x10240xf32, #tpu.memory_space<vmem>>, vector<16x10240xf32>
    %mul3A = arith.mulf %slice3A, %slice3A : vector<256x16xf32>
    %reduce_sum3A = arith.constant dense<0.000000e+00> : vector<256xf32>
    %reduce_sum3A_5 = vector.multi_reduction <add>, %mul3A, %reduce_sum3A [1] : vector<256x16xf32> to vector<256xf32>
    %broadcast_in_dim3A = vector.shape_cast %reduce_sum3A_5 : vector<256xf32> to vector<256x1xf32>
    %mul3A_6 = arith.mulf %get3A_4, %get3A_4 : vector<16x10240xf32>
    %reduce_sum3A_7 = arith.constant dense<0.000000e+00> : vector<10240xf32>
    %reduce_sum3A_8 = vector.multi_reduction <add>, %mul3A_6, %reduce_sum3A_7 [0] : vector<16x10240xf32> to vector<10240xf32>
    %broadcast_in_dim3A_9 = vector.shape_cast %reduce_sum3A_8 : vector<10240xf32> to vector<1x10240xf32>
    %dot_general3A = arith.constant dense<0.000000e+00> : vector<256x10240xf32>
    %dot_general3A_10 = tpu.matmul %slice3A, %get3A_4, %dot_general3A {dimension_numbers = #tpu.dot_dimension_numbers<[1], [0], [0], [1], [0, 0, 1, 1], [], []>, transpose_lhs_hint = false} : vector<256x16xf32>, vector<16x10240xf32>, vector<256x10240xf32> -> vector<256x10240xf32>
    %add3A = vector.broadcast %broadcast_in_dim3A : vector<256x1xf32> to vector<256x10240xf32>
    %add3A_11 = vector.broadcast %broadcast_in_dim3A_9 : vector<1x10240xf32> to vector<256x10240xf32>
    %add3A_12 = arith.addf %add3A, %add3A_11 : vector<256x10240xf32>
    %mul3A_13 = arith.constant 2.000000e+00 : f32
    %mul3A_14 = vector.broadcast %mul3A_13 : f32 to vector<256x10240xf32>
    %mul3A_15 = arith.mulf %mul3A_14, %dot_general3A_10 : vector<256x10240xf32>
    %sub3A = arith.subf %add3A_12, %mul3A_15 : vector<256x10240xf32>
    %iota3A = tpu.iota {dimensions = array<i32: 1>} : vector<256x10240xi32>
    %le3A = arith.constant 6.250000e-02 : f32
    %le3A_16 = vector.broadcast %le3A : f32 to vector<256x10240xf32>
    %le3A_17 = arith.cmpf ole, %sub3A, %le3A_16 : vector<256x10240xf32>
    %lt3A = arith.constant 10000 : i32
    %lt3A_18 = vector.broadcast %lt3A : i32 to vector<256x10240xi32>
    %lt3A_19 = arith.cmpi slt, %iota3A, %lt3A_18 : vector<256x10240xi32>
    %and3A = arith.andi %le3A_17, %lt3A_19 : vector<256x10240xi1>
    %jit3A = arith.constant 0x7F800000 : f32
    %broadcast_in_dim3A_20 = vector.broadcast %jit3A : f32 to vector<256x10240xf32>
    %select_n3A = arith.select %and3A, %sub3A, %broadcast_in_dim3A_20 : vector<256x10240xi1>, vector<256x10240xf32>
    %swap3A = arith.constant 0 : index
    %swap3A_21 = arith.constant 0 : index
    %swap3A_22 = vector.load %arg5[%swap3A, %swap3A_21] : memref<256x10240xf32, #tpu.memory_space<vmem>>, vector<256x10240xf32>
    tpu.vector_store %arg5[%swap3A, %swap3A_21], %select_n3A {strides = array<i32>} : memref<256x10240xf32, #tpu.memory_space<vmem>>, vector<256x10240xf32>,
    %get3A_23 = arith.constant 0 : index
    %get3A_24 = arith.constant 0 : index
    %get3A_25 = vector.load %arg5[%get3A_23, %get3A_24] : memref<256x10240xf32, #tpu.memory_space<vmem>>, vector<256x10240xf32>
    %reduce_min3A = arith.constant dense<0x7F800000> : vector<256xf32>
    %reduce_min3A_26 = vector.multi_reduction <minimumf>, %get3A_25, %reduce_min3A [1] : vector<256x10240xf32> to vector<256xf32>
    %broadcast_in_dim3A_27 = vector.shape_cast %reduce_min3A_26 : vector<256xf32> to vector<256x1xf32>
    %eq3A = vector.broadcast %broadcast_in_dim3A_27 : vector<256x1xf32> to vector<256x10240xf32>
    %eq3A_28 = arith.cmpf oeq, %get3A_25, %eq3A : vector<256x10240xf32>
    %jit3A_29 = arith.constant 10240 : i32
    %broadcast_in_dim3A_30 = vector.broadcast %jit3A_29 : i32 to vector<256x10240xi32>
    %select_n3A_31 = arith.select %eq3A_28, %iota3A, %broadcast_in_dim3A_30 : vector<256x10240xi1>, vector<256x10240xi32>
    %reduce_min3A_32 = arith.constant dense<2147483647> : vector<256xi32>
    %reduce_min3A_33 = vector.multi_reduction <minsi>, %select_n3A_31, %reduce_min3A_32 [1] : vector<256x10240xi32> to vector<256xi32>
    %broadcast_in_dim3A_34 = vector.shape_cast %reduce_min3A_33 : vector<256xi32> to vector<256x1xi32>
    %swap3A_35 = arith.constant 0 : index
    %swap3A_36 = arith.constant 0 : index
    %swap3A_37 = vector.load %arg3[%swap3A_35, %swap3A_36] : memref<256x16xi32, #tpu.memory_space<vmem>>, vector<256x1xi32>
    tpu.vector_store %arg3[%swap3A_35, %swap3A_36], %broadcast_in_dim3A_34 {strides = array<i32>} : memref<256x16xi32, #tpu.memory_space<vmem>>, vector<256x1xi32>,
    %lt3A_38 = arith.constant 0x7F800000 : f32
    %lt3A_39 = vector.broadcast %lt3A_38 : f32 to vector<256x1xf32>
    %lt3A_40 = arith.cmpf olt, %broadcast_in_dim3A_27, %lt3A_39 : vector<256x1xf32>
    %convert_element_type3A = arith.extui %lt3A_40 : vector<256x1xi1> to vector<256x1xi32>
    %swap3A_41 = arith.constant 0 : index
    %swap3A_42 = arith.constant 0 : index
    %swap3A_43 = vector.load %arg4[%swap3A_41, %swap3A_42] : memref<256x16xi32, #tpu.memory_space<vmem>>, vector<256x1xi32>
    tpu.vector_store %arg4[%swap3A_41, %swap3A_42], %convert_element_type3A {strides = array<i32>} : memref<256x16xi32, #tpu.memory_space<vmem>>, vector<256x1xi32>,
    %eq3A_44 = vector.broadcast %broadcast_in_dim3A_34 : vector<256x1xi32> to vector<256x10240xi32>
    %eq3A_45 = arith.cmpi eq, %iota3A, %eq3A_44 : vector<256x10240xi32>
    %jit3A_46 = arith.constant 0x7F800000 : f32
    %broadcast_in_dim3A_47 = vector.broadcast %jit3A_46 : f32 to vector<256x10240xf32>
    %select_n3A_48 = arith.select %eq3A_45, %broadcast_in_dim3A_47, %get3A_25 : vector<256x10240xi1>, vector<256x10240xf32>
    %swap3A_49 = arith.constant 0 : index
    %swap3A_50 = arith.constant 0 : index
    %swap3A_51 = vector.load %arg5[%swap3A_49, %swap3A_50] : memref<256x10240xf32, #tpu.memory_space<vmem>>, vector<256x10240xf32>
    tpu.vector_store %arg5[%swap3A_49, %swap3A_50], %select_n3A_48 {strides = array<i32>} : memref<256x10240xf32, #tpu.memory_space<vmem>>, vector<256x10240xf32>,
    %get3A_52 = arith.constant 0 : index
    %get3A_53 = arith.constant 0 : index
    %get3A_54 = vector.load %arg5[%get3A_52, %get3A_53] : memref<256x10240xf32, #tpu.memory_space<vmem>>, vector<256x10240xf32>
    %reduce_min3A_55 = arith.constant dense<0x7F800000> : vector<256xf32>
    %reduce_min3A_56 = vector.multi_reduction <minimumf>, %get3A_54, %reduce_min3A_55 [1] : vector<256x10240xf32> to vector<256xf32>
    %broadcast_in_dim3A_57 = vector.shape_cast %reduce_min3A_56 : vector<256xf32> to vector<256x1xf32>
    %eq3A_58 = vector.broadcast %broadcast_in_dim3A_57 : vector<256x1xf32> to vector<256x10240xf32>
    %eq3A_59 = arith.cmpf oeq, %get3A_54, %eq3A_58 : vector<256x10240xf32>
    %jit3A_60 = arith.constant 10240 : i32
    %broadcast_in_dim3A_61 = vector.broadcast %jit3A_60 : i32 to vector<256x10240xi32>
    %select_n3A_62 = arith.select %eq3A_59, %iota3A, %broadcast_in_dim3A_61 : vector<256x10240xi1>, vector<256x10240xi32>
    %reduce_min3A_63 = arith.constant dense<2147483647> : vector<256xi32>
    %reduce_min3A_64 = vector.multi_reduction <minsi>, %select_n3A_62, %reduce_min3A_63 [1] : vector<256x10240xi32> to vector<256xi32>
    %broadcast_in_dim3A_65 = vector.shape_cast %reduce_min3A_64 : vector<256xi32> to vector<256x1xi32>
    %swap3A_66 = arith.constant 0 : index
    %swap3A_67 = arith.constant 1 : index
    %swap3A_68 = vector.load %arg3[%swap3A_66, %swap3A_67] : memref<256x16xi32, #tpu.memory_space<vmem>>, vector<256x1xi32>
    tpu.vector_store %arg3[%swap3A_66, %swap3A_67], %broadcast_in_dim3A_65 {strides = array<i32>} : memref<256x16xi32, #tpu.memory_space<vmem>>, vector<256x1xi32>,
    %lt3A_69 = arith.constant 0x7F800000 : f32
    %lt3A_70 = vector.broadcast %lt3A_69 : f32 to vector<256x1xf32>
    %lt3A_71 = arith.cmpf olt, %broadcast_in_dim3A_57, %lt3A_70 : vector<256x1xf32>
    %convert_element_type3A_72 = arith.extui %lt3A_71 : vector<256x1xi1> to vector<256x1xi32>
    %swap3A_73 = arith.constant 0 : index
    %swap3A_74 = arith.constant 1 : index
    %swap3A_75 = vector.load %arg4[%swap3A_73, %swap3A_74] : memref<256x16xi32, #tpu.memory_space<vmem>>, vector<256x1xi32>
    tpu.vector_store %arg4[%swap3A_73, %swap3A_74], %convert_element_type3A_72 {strides = array<i32>} : memref<256x16xi32, #tpu.memory_space<vmem>>, vector<256x1xi32>,
    %eq3A_76 = vector.broadcast %broadcast_in_dim3A_65 : vector<256x1xi32> to vector<256x10240xi32>
    %eq3A_77 = arith.cmpi eq, %iota3A, %eq3A_76 : vector<256x10240xi32>
    %jit3A_78 = arith.constant 0x7F800000 : f32
    %broadcast_in_dim3A_79 = vector.broadcast %jit3A_78 : f32 to vector<256x10240xf32>
    %select_n3A_80 = arith.select %eq3A_77, %broadcast_in_dim3A_79, %get3A_54 : vector<256x10240xi1>, vector<256x10240xf32>
    %swap3A_81 = arith.constant 0 : index
    %swap3A_82 = arith.constant 0 : index
    %swap3A_83 = vector.load %arg5[%swap3A_81, %swap3A_82] : memref<256x10240xf32, #tpu.memory_space<vmem>>, vector<256x10240xf32>
    tpu.vector_store %arg5[%swap3A_81, %swap3A_82], %select_n3A_80 {strides = array<i32>} : memref<256x10240xf32, #tpu.memory_space<vmem>>, vector<256x10240xf32>,
    %get3A_84 = arith.constant 0 : index
    %get3A_85 = arith.constant 0 : index
    %get3A_86 = vector.load %arg5[%get3A_84, %get3A_85] : memref<256x10240xf32, #tpu.memory_space<vmem>>, vector<256x10240xf32>
    %reduce_min3A_87 = arith.constant dense<0x7F800000> : vector<256xf32>
    %reduce_min3A_88 = vector.multi_reduction <minimumf>, %get3A_86, %reduce_min3A_87 [1] : vector<256x10240xf32> to vector<256xf32>
    %broadcast_in_dim3A_89 = vector.shape_cast %reduce_min3A_88 : vector<256xf32> to vector<256x1xf32>
    %eq3A_90 = vector.broadcast %broadcast_in_dim3A_89 : vector<256x1xf32> to vector<256x10240xf32>
    %eq3A_91 = arith.cmpf oeq, %get3A_86, %eq3A_90 : vector<256x10240xf32>
    %jit3A_92 = arith.constant 10240 : i32
    %broadcast_in_dim3A_93 = vector.broadcast %jit3A_92 : i32 to vector<256x10240xi32>
    %select_n3A_94 = arith.select %eq3A_91, %iota3A, %broadcast_in_dim3A_93 : vector<256x10240xi1>, vector<256x10240xi32>
    %reduce_min3A_95 = arith.constant dense<2147483647> : vector<256xi32>
    %reduce_min3A_96 = vector.multi_reduction <minsi>, %select_n3A_94, %reduce_min3A_95 [1] : vector<256x10240xi32> to vector<256xi32>
    %broadcast_in_dim3A_97 = vector.shape_cast %reduce_min3A_96 : vector<256xi32> to vector<256x1xi32>
    %swap3A_98 = arith.constant 0 : index
    %swap3A_99 = arith.constant 2 : index
    %swap3A_100 = vector.load %arg3[%swap3A_98, %swap3A_99] : memref<256x16xi32, #tpu.memory_space<vmem>>, vector<256x1xi32>
    tpu.vector_store %arg3[%swap3A_98, %swap3A_99], %broadcast_in_dim3A_97 {strides = array<i32>} : memref<256x16xi32, #tpu.memory_space<vmem>>, vector<256x1xi32>,
    %lt3A_101 = arith.constant 0x7F800000 : f32
    %lt3A_102 = vector.broadcast %lt3A_101 : f32 to vector<256x1xf32>
    %lt3A_103 = arith.cmpf olt, %broadcast_in_dim3A_89, %lt3A_102 : vector<256x1xf32>
    %convert_element_type3A_104 = arith.extui %lt3A_103 : vector<256x1xi1> to vector<256x1xi32>
    %swap3A_105 = arith.constant 0 : index
    %swap3A_106 = arith.constant 2 : index
    %swap3A_107 = vector.load %arg4[%swap3A_105, %swap3A_106] : memref<256x16xi32, #tpu.memory_space<vmem>>, vector<256x1xi32>
    tpu.vector_store %arg4[%swap3A_105, %swap3A_106], %convert_element_type3A_104 {strides = array<i32>} : memref<256x16xi32, #tpu.memory_space<vmem>>, vector<256x1xi32>,
    %eq3A_108 = vector.broadcast %broadcast_in_dim3A_97 : vector<256x1xi32> to vector<256x10240xi32>
    %eq3A_109 = arith.cmpi eq, %iota3A, %eq3A_108 : vector<256x10240xi32>
    %jit3A_110 = arith.constant 0x7F800000 : f32
    %broadcast_in_dim3A_111 = vector.broadcast %jit3A_110 : f32 to vector<256x10240xf32>
    %select_n3A_112 = arith.select %eq3A_109, %broadcast_in_dim3A_111, %get3A_86 : vector<256x10240xi1>, vector<256x10240xf32>
    %swap3A_113 = arith.constant 0 : index
    %swap3A_114 = arith.constant 0 : index
    %swap3A_115 = vector.load %arg5[%swap3A_113, %swap3A_114] : memref<256x10240xf32, #tpu.memory_space<vmem>>, vector<256x10240xf32>
    tpu.vector_store %arg5[%swap3A_113, %swap3A_114], %select_n3A_112 {strides = array<i32>} : memref<256x10240xf32, #tpu.memory_space<vmem>>, vector<256x10240xf32>,
    %get3A_116 = arith.constant 0 : index
    %get3A_117 = arith.constant 0 : index
    %get3A_118 = vector.load %arg5[%get3A_116, %get3A_117] : memref<256x10240xf32, #tpu.memory_space<vmem>>, vector<256x10240xf32>
    %reduce_min3A_119 = arith.constant dense<0x7F800000> : vector<256xf32>
    %reduce_min3A_120 = vector.multi_reduction <minimumf>, %get3A_118, %reduce_min3A_119 [1] : vector<256x10240xf32> to vector<256xf32>
    %broadcast_in_dim3A_121 = vector.shape_cast %reduce_min3A_120 : vector<256xf32> to vector<256x1xf32>
    %eq3A_122 = vector.broadcast %broadcast_in_dim3A_121 : vector<256x1xf32> to vector<256x10240xf32>
    %eq3A_123 = arith.cmpf oeq, %get3A_118, %eq3A_122 : vector<256x10240xf32>
    %jit3A_124 = arith.constant 10240 : i32
    %broadcast_in_dim3A_125 = vector.broadcast %jit3A_124 : i32 to vector<256x10240xi32>
    %select_n3A_126 = arith.select %eq3A_123, %iota3A, %broadcast_in_dim3A_125 : vector<256x10240xi1>, vector<256x10240xi32>
    %reduce_min3A_127 = arith.constant dense<2147483647> : vector<256xi32>
    %reduce_min3A_128 = vector.multi_reduction <minsi>, %select_n3A_126, %reduce_min3A_127 [1] : vector<256x10240xi32> to vector<256xi32>
    %broadcast_in_dim3A_129 = vector.shape_cast %reduce_min3A_128 : vector<256xi32> to vector<256x1xi32>
    %swap3A_130 = arith.constant 0 : index
    %swap3A_131 = arith.constant 3 : index
    %swap3A_132 = vector.load %arg3[%swap3A_130, %swap3A_131] : memref<256x16xi32, #tpu.memory_space<vmem>>, vector<256x1xi32>
    tpu.vector_store %arg3[%swap3A_130, %swap3A_131], %broadcast_in_dim3A_129 {strides = array<i32>} : memref<256x16xi32, #tpu.memory_space<vmem>>, vector<256x1xi32>,
    %lt3A_133 = arith.constant 0x7F800000 : f32
    %lt3A_134 = vector.broadcast %lt3A_133 : f32 to vector<256x1xf32>
    %lt3A_135 = arith.cmpf olt, %broadcast_in_dim3A_121, %lt3A_134 : vector<256x1xf32>
    %convert_element_type3A_136 = arith.extui %lt3A_135 : vector<256x1xi1> to vector<256x1xi32>
    %swap3A_137 = arith.constant 0 : index
    %swap3A_138 = arith.constant 3 : index
    %swap3A_139 = vector.load %arg4[%swap3A_137, %swap3A_138] : memref<256x16xi32, #tpu.memory_space<vmem>>, vector<256x1xi32>
    tpu.vector_store %arg4[%swap3A_137, %swap3A_138], %convert_element_type3A_136 {strides = array<i32>} : memref<256x16xi32, #tpu.memory_space<vmem>>, vector<256x1xi32>,
    %eq3A_140 = vector.broadcast %broadcast_in_dim3A_129 : vector<256x1xi32> to vector<256x10240xi32>
    %eq3A_141 = arith.cmpi eq, %iota3A, %eq3A_140 : vector<256x10240xi32>
    %jit3A_142 = arith.constant 0x7F800000 : f32
    %broadcast_in_dim3A_143 = vector.broadcast %jit3A_142 : f32 to vector<256x10240xf32>
    %select_n3A_144 = arith.select %eq3A_141, %broadcast_in_dim3A_143, %get3A_118 : vector<256x10240xi1>, vector<256x10240xf32>
    %swap3A_145 = arith.constant 0 : index
    %swap3A_146 = arith.constant 0 : index
    %swap3A_147 = vector.load %arg5[%swap3A_145, %swap3A_146] : memref<256x10240xf32, #tpu.memory_space<vmem>>, vector<256x10240xf32>
    tpu.vector_store %arg5[%swap3A_145, %swap3A_146], %select_n3A_144 {strides = array<i32>} : memref<256x10240xf32, #tpu.memory_space<vmem>>, vector<256x10240xf32>,
    %get3A_148 = arith.constant 0 : index
    %get3A_149 = arith.constant 0 : index
    %get3A_150 = vector.load %arg5[%get3A_148, %get3A_149] : memref<256x10240xf32, #tpu.memory_space<vmem>>, vector<256x10240xf32>
    %reduce_min3A_151 = arith.constant dense<0x7F800000> : vector<256xf32>
    %reduce_min3A_152 = vector.multi_reduction <minimumf>, %get3A_150, %reduce_min3A_151 [1] : vector<256x10240xf32> to vector<256xf32>
    %broadcast_in_dim3A_153 = vector.shape_cast %reduce_min3A_152 : vector<256xf32> to vector<256x1xf32>
    %eq3A_154 = vector.broadcast %broadcast_in_dim3A_153 : vector<256x1xf32> to vector<256x10240xf32>
    %eq3A_155 = arith.cmpf oeq, %get3A_150, %eq3A_154 : vector<256x10240xf32>
    %jit3A_156 = arith.constant 10240 : i32
    %broadcast_in_dim3A_157 = vector.broadcast %jit3A_156 : i32 to vector<256x10240xi32>
    %select_n3A_158 = arith.select %eq3A_155, %iota3A, %broadcast_in_dim3A_157 : vector<256x10240xi1>, vector<256x10240xi32>
    %reduce_min3A_159 = arith.constant dense<2147483647> : vector<256xi32>
    %reduce_min3A_160 = vector.multi_reduction <minsi>, %select_n3A_158, %reduce_min3A_159 [1] : vector<256x10240xi32> to vector<256xi32>
    %broadcast_in_dim3A_161 = vector.shape_cast %reduce_min3A_160 : vector<256xi32> to vector<256x1xi32>
    %swap3A_162 = arith.constant 0 : index
    %swap3A_163 = arith.constant 4 : index
    %swap3A_164 = vector.load %arg3[%swap3A_162, %swap3A_163] : memref<256x16xi32, #tpu.memory_space<vmem>>, vector<256x1xi32>
    tpu.vector_store %arg3[%swap3A_162, %swap3A_163], %broadcast_in_dim3A_161 {strides = array<i32>} : memref<256x16xi32, #tpu.memory_space<vmem>>, vector<256x1xi32>,
    %lt3A_165 = arith.constant 0x7F800000 : f32
    %lt3A_166 = vector.broadcast %lt3A_165 : f32 to vector<256x1xf32>
    %lt3A_167 = arith.cmpf olt, %broadcast_in_dim3A_153, %lt3A_166 : vector<256x1xf32>
    %convert_element_type3A_168 = arith.extui %lt3A_167 : vector<256x1xi1> to vector<256x1xi32>
    %swap3A_169 = arith.constant 0 : index
    %swap3A_170 = arith.constant 4 : index
    %swap3A_171 = vector.load %arg4[%swap3A_169, %swap3A_170] : memref<256x16xi32, #tpu.memory_space<vmem>>, vector<256x1xi32>
    tpu.vector_store %arg4[%swap3A_169, %swap3A_170], %convert_element_type3A_168 {strides = array<i32>} : memref<256x16xi32, #tpu.memory_space<vmem>>, vector<256x1xi32>,
    %eq3A_172 = vector.broadcast %broadcast_in_dim3A_161 : vector<256x1xi32> to vector<256x10240xi32>
    %eq3A_173 = arith.cmpi eq, %iota3A, %eq3A_172 : vector<256x10240xi32>
    %jit3A_174 = arith.constant 0x7F800000 : f32
    %broadcast_in_dim3A_175 = vector.broadcast %jit3A_174 : f32 to vector<256x10240xf32>
    %select_n3A_176 = arith.select %eq3A_173, %broadcast_in_dim3A_175, %get3A_150 : vector<256x10240xi1>, vector<256x10240xf32>
    %swap3A_177 = arith.constant 0 : index
    %swap3A_178 = arith.constant 0 : index
    %swap3A_179 = vector.load %arg5[%swap3A_177, %swap3A_178] : memref<256x10240xf32, #tpu.memory_space<vmem>>, vector<256x10240xf32>
    tpu.vector_store %arg5[%swap3A_177, %swap3A_178], %select_n3A_176 {strides = array<i32>} : memref<256x10240xf32, #tpu.memory_space<vmem>>, vector<256x10240xf32>,
    %get3A_180 = arith.constant 0 : index
    %get3A_181 = arith.constant 0 : index
    %get3A_182 = vector.load %arg5[%get3A_180, %get3A_181] : memref<256x10240xf32, #tpu.memory_space<vmem>>, vector<256x10240xf32>
    %reduce_min3A_183 = arith.constant dense<0x7F800000> : vector<256xf32>
    %reduce_min3A_184 = vector.multi_reduction <minimumf>, %get3A_182, %reduce_min3A_183 [1] : vector<256x10240xf32> to vector<256xf32>
    %broadcast_in_dim3A_185 = vector.shape_cast %reduce_min3A_184 : vector<256xf32> to vector<256x1xf32>
    %eq3A_186 = vector.broadcast %broadcast_in_dim3A_185 : vector<256x1xf32> to vector<256x10240xf32>
    %eq3A_187 = arith.cmpf oeq, %get3A_182, %eq3A_186 : vector<256x10240xf32>
    %jit3A_188 = arith.constant 10240 : i32
    %broadcast_in_dim3A_189 = vector.broadcast %jit3A_188 : i32 to vector<256x10240xi32>
    %select_n3A_190 = arith.select %eq3A_187, %iota3A, %broadcast_in_dim3A_189 : vector<256x10240xi1>, vector<256x10240xi32>
    %reduce_min3A_191 = arith.constant dense<2147483647> : vector<256xi32>
    %reduce_min3A_192 = vector.multi_reduction <minsi>, %select_n3A_190, %reduce_min3A_191 [1] : vector<256x10240xi32> to vector<256xi32>
    %broadcast_in_dim3A_193 = vector.shape_cast %reduce_min3A_192 : vector<256xi32> to vector<256x1xi32>
    %swap3A_194 = arith.constant 0 : index
    %swap3A_195 = arith.constant 5 : index
    %swap3A_196 = vector.load %arg3[%swap3A_194, %swap3A_195] : memref<256x16xi32, #tpu.memory_space<vmem>>, vector<256x1xi32>
    tpu.vector_store %arg3[%swap3A_194, %swap3A_195], %broadcast_in_dim3A_193 {strides = array<i32>} : memref<256x16xi32, #tpu.memory_space<vmem>>, vector<256x1xi32>,
    %lt3A_197 = arith.constant 0x7F800000 : f32
    %lt3A_198 = vector.broadcast %lt3A_197 : f32 to vector<256x1xf32>
    %lt3A_199 = arith.cmpf olt, %broadcast_in_dim3A_185, %lt3A_198 : vector<256x1xf32>
    %convert_element_type3A_200 = arith.extui %lt3A_199 : vector<256x1xi1> to vector<256x1xi32>
    %swap3A_201 = arith.constant 0 : index
    %swap3A_202 = arith.constant 5 : index
    %swap3A_203 = vector.load %arg4[%swap3A_201, %swap3A_202] : memref<256x16xi32, #tpu.memory_space<vmem>>, vector<256x1xi32>
    tpu.vector_store %arg4[%swap3A_201, %swap3A_202], %convert_element_type3A_200 {strides = array<i32>} : memref<256x16xi32, #tpu.memory_space<vmem>>, vector<256x1xi32>,
    %eq3A_204 = vector.broadcast %broadcast_in_dim3A_193 : vector<256x1xi32> to vector<256x10240xi32>
    %eq3A_205 = arith.cmpi eq, %iota3A, %eq3A_204 : vector<256x10240xi32>
    %jit3A_206 = arith.constant 0x7F800000 : f32
    %broadcast_in_dim3A_207 = vector.broadcast %jit3A_206 : f32 to vector<256x10240xf32>
    %select_n3A_208 = arith.select %eq3A_205, %broadcast_in_dim3A_207, %get3A_182 : vector<256x10240xi1>, vector<256x10240xf32>
    %swap3A_209 = arith.constant 0 : index
    %swap3A_210 = arith.constant 0 : index
    %swap3A_211 = vector.load %arg5[%swap3A_209, %swap3A_210] : memref<256x10240xf32, #tpu.memory_space<vmem>>, vector<256x10240xf32>
    tpu.vector_store %arg5[%swap3A_209, %swap3A_210], %select_n3A_208 {strides = array<i32>} : memref<256x10240xf32, #tpu.memory_space<vmem>>, vector<256x10240xf32>,
    %get3A_212 = arith.constant 0 : index
    %get3A_213 = arith.constant 0 : index
    %get3A_214 = vector.load %arg5[%get3A_212, %get3A_213] : memref<256x10240xf32, #tpu.memory_space<vmem>>, vector<256x10240xf32>
    %reduce_min3A_215 = arith.constant dense<0x7F800000> : vector<256xf32>
    %reduce_min3A_216 = vector.multi_reduction <minimumf>, %get3A_214, %reduce_min3A_215 [1] : vector<256x10240xf32> to vector<256xf32>
    %broadcast_in_dim3A_217 = vector.shape_cast %reduce_min3A_216 : vector<256xf32> to vector<256x1xf32>
    %eq3A_218 = vector.broadcast %broadcast_in_dim3A_217 : vector<256x1xf32> to vector<256x10240xf32>
    %eq3A_219 = arith.cmpf oeq, %get3A_214, %eq3A_218 : vector<256x10240xf32>
    %jit3A_220 = arith.constant 10240 : i32
    %broadcast_in_dim3A_221 = vector.broadcast %jit3A_220 : i32 to vector<256x10240xi32>
    %select_n3A_222 = arith.select %eq3A_219, %iota3A, %broadcast_in_dim3A_221 : vector<256x10240xi1>, vector<256x10240xi32>
    %reduce_min3A_223 = arith.constant dense<2147483647> : vector<256xi32>
    %reduce_min3A_224 = vector.multi_reduction <minsi>, %select_n3A_222, %reduce_min3A_223 [1] : vector<256x10240xi32> to vector<256xi32>
    %broadcast_in_dim3A_225 = vector.shape_cast %reduce_min3A_224 : vector<256xi32> to vector<256x1xi32>
    %swap3A_226 = arith.constant 0 : index
    %swap3A_227 = arith.constant 6 : index
    %swap3A_228 = vector.load %arg3[%swap3A_226, %swap3A_227] : memref<256x16xi32, #tpu.memory_space<vmem>>, vector<256x1xi32>
    tpu.vector_store %arg3[%swap3A_226, %swap3A_227], %broadcast_in_dim3A_225 {strides = array<i32>} : memref<256x16xi32, #tpu.memory_space<vmem>>, vector<256x1xi32>,
    %lt3A_229 = arith.constant 0x7F800000 : f32
    %lt3A_230 = vector.broadcast %lt3A_229 : f32 to vector<256x1xf32>
    %lt3A_231 = arith.cmpf olt, %broadcast_in_dim3A_217, %lt3A_230 : vector<256x1xf32>
    %convert_element_type3A_232 = arith.extui %lt3A_231 : vector<256x1xi1> to vector<256x1xi32>
    %swap3A_233 = arith.constant 0 : index
    %swap3A_234 = arith.constant 6 : index
    %swap3A_235 = vector.load %arg4[%swap3A_233, %swap3A_234] : memref<256x16xi32, #tpu.memory_space<vmem>>, vector<256x1xi32>
    tpu.vector_store %arg4[%swap3A_233, %swap3A_234], %convert_element_type3A_232 {strides = array<i32>} : memref<256x16xi32, #tpu.memory_space<vmem>>, vector<256x1xi32>,
    %eq3A_236 = vector.broadcast %broadcast_in_dim3A_225 : vector<256x1xi32> to vector<256x10240xi32>
    %eq3A_237 = arith.cmpi eq, %iota3A, %eq3A_236 : vector<256x10240xi32>
    %jit3A_238 = arith.constant 0x7F800000 : f32
    %broadcast_in_dim3A_239 = vector.broadcast %jit3A_238 : f32 to vector<256x10240xf32>
    %select_n3A_240 = arith.select %eq3A_237, %broadcast_in_dim3A_239, %get3A_214 : vector<256x10240xi1>, vector<256x10240xf32>
    %swap3A_241 = arith.constant 0 : index
    %swap3A_242 = arith.constant 0 : index
    %swap3A_243 = vector.load %arg5[%swap3A_241, %swap3A_242] : memref<256x10240xf32, #tpu.memory_space<vmem>>, vector<256x10240xf32>
    tpu.vector_store %arg5[%swap3A_241, %swap3A_242], %select_n3A_240 {strides = array<i32>} : memref<256x10240xf32, #tpu.memory_space<vmem>>, vector<256x10240xf32>,
    %get3A_244 = arith.constant 0 : index
    %get3A_245 = arith.constant 0 : index
    %get3A_246 = vector.load %arg5[%get3A_244, %get3A_245] : memref<256x10240xf32, #tpu.memory_space<vmem>>, vector<256x10240xf32>
    %reduce_min3A_247 = arith.constant dense<0x7F800000> : vector<256xf32>
    %reduce_min3A_248 = vector.multi_reduction <minimumf>, %get3A_246, %reduce_min3A_247 [1] : vector<256x10240xf32> to vector<256xf32>
    %broadcast_in_dim3A_249 = vector.shape_cast %reduce_min3A_248 : vector<256xf32> to vector<256x1xf32>
    %eq3A_250 = vector.broadcast %broadcast_in_dim3A_249 : vector<256x1xf32> to vector<256x10240xf32>
    %eq3A_251 = arith.cmpf oeq, %get3A_246, %eq3A_250 : vector<256x10240xf32>
    %jit3A_252 = arith.constant 10240 : i32
    %broadcast_in_dim3A_253 = vector.broadcast %jit3A_252 : i32 to vector<256x10240xi32>
    %select_n3A_254 = arith.select %eq3A_251, %iota3A, %broadcast_in_dim3A_253 : vector<256x10240xi1>, vector<256x10240xi32>
    %reduce_min3A_255 = arith.constant dense<2147483647> : vector<256xi32>
    %reduce_min3A_256 = vector.multi_reduction <minsi>, %select_n3A_254, %reduce_min3A_255 [1] : vector<256x10240xi32> to vector<256xi32>
    %broadcast_in_dim3A_257 = vector.shape_cast %reduce_min3A_256 : vector<256xi32> to vector<256x1xi32>
    %swap3A_258 = arith.constant 0 : index
    %swap3A_259 = arith.constant 7 : index
    %swap3A_260 = vector.load %arg3[%swap3A_258, %swap3A_259] : memref<256x16xi32, #tpu.memory_space<vmem>>, vector<256x1xi32>
    tpu.vector_store %arg3[%swap3A_258, %swap3A_259], %broadcast_in_dim3A_257 {strides = array<i32>} : memref<256x16xi32, #tpu.memory_space<vmem>>, vector<256x1xi32>,
    %lt3A_261 = arith.constant 0x7F800000 : f32
    %lt3A_262 = vector.broadcast %lt3A_261 : f32 to vector<256x1xf32>
    %lt3A_263 = arith.cmpf olt, %broadcast_in_dim3A_249, %lt3A_262 : vector<256x1xf32>
    %convert_element_type3A_264 = arith.extui %lt3A_263 : vector<256x1xi1> to vector<256x1xi32>
    %swap3A_265 = arith.constant 0 : index
    %swap3A_266 = arith.constant 7 : index
    %swap3A_267 = vector.load %arg4[%swap3A_265, %swap3A_266] : memref<256x16xi32, #tpu.memory_space<vmem>>, vector<256x1xi32>
    tpu.vector_store %arg4[%swap3A_265, %swap3A_266], %convert_element_type3A_264 {strides = array<i32>} : memref<256x16xi32, #tpu.memory_space<vmem>>, vector<256x1xi32>,
    %eq3A_268 = vector.broadcast %broadcast_in_dim3A_257 : vector<256x1xi32> to vector<256x10240xi32>
    %eq3A_269 = arith.cmpi eq, %iota3A, %eq3A_268 : vector<256x10240xi32>
    %jit3A_270 = arith.constant 0x7F800000 : f32
    %broadcast_in_dim3A_271 = vector.broadcast %jit3A_270 : f32 to vector<256x10240xf32>
    %select_n3A_272 = arith.select %eq3A_269, %broadcast_in_dim3A_271, %get3A_246 : vector<256x10240xi1>, vector<256x10240xf32>
    %swap3A_273 = arith.constant 0 : index
    %swap3A_274 = arith.constant 0 : index
    %swap3A_275 = vector.load %arg5[%swap3A_273, %swap3A_274] : memref<256x10240xf32, #tpu.memory_space<vmem>>, vector<256x10240xf32>
    tpu.vector_store %arg5[%swap3A_273, %swap3A_274], %select_n3A_272 {strides = array<i32>} : memref<256x10240xf32, #tpu.memory_space<vmem>>, vector<256x10240xf32>,
    %get3A_276 = arith.constant 0 : index
    %get3A_277 = arith.constant 0 : index
    %get3A_278 = vector.load %arg5[%get3A_276, %get3A_277] : memref<256x10240xf32, #tpu.memory_space<vmem>>, vector<256x10240xf32>
    %reduce_min3A_279 = arith.constant dense<0x7F800000> : vector<256xf32>
    %reduce_min3A_280 = vector.multi_reduction <minimumf>, %get3A_278, %reduce_min3A_279 [1] : vector<256x10240xf32> to vector<256xf32>
    %broadcast_in_dim3A_281 = vector.shape_cast %reduce_min3A_280 : vector<256xf32> to vector<256x1xf32>
    %eq3A_282 = vector.broadcast %broadcast_in_dim3A_281 : vector<256x1xf32> to vector<256x10240xf32>
    %eq3A_283 = arith.cmpf oeq, %get3A_278, %eq3A_282 : vector<256x10240xf32>
    %jit3A_284 = arith.constant 10240 : i32
    %broadcast_in_dim3A_285 = vector.broadcast %jit3A_284 : i32 to vector<256x10240xi32>
    %select_n3A_286 = arith.select %eq3A_283, %iota3A, %broadcast_in_dim3A_285 : vector<256x10240xi1>, vector<256x10240xi32>
    %reduce_min3A_287 = arith.constant dense<2147483647> : vector<256xi32>
    %reduce_min3A_288 = vector.multi_reduction <minsi>, %select_n3A_286, %reduce_min3A_287 [1] : vector<256x10240xi32> to vector<256xi32>
    %broadcast_in_dim3A_289 = vector.shape_cast %reduce_min3A_288 : vector<256xi32> to vector<256x1xi32>
    %swap3A_290 = arith.constant 0 : index
    %swap3A_291 = arith.constant 8 : index
    %swap3A_292 = vector.load %arg3[%swap3A_290, %swap3A_291] : memref<256x16xi32, #tpu.memory_space<vmem>>, vector<256x1xi32>
    tpu.vector_store %arg3[%swap3A_290, %swap3A_291], %broadcast_in_dim3A_289 {strides = array<i32>} : memref<256x16xi32, #tpu.memory_space<vmem>>, vector<256x1xi32>,
    %lt3A_293 = arith.constant 0x7F800000 : f32
    %lt3A_294 = vector.broadcast %lt3A_293 : f32 to vector<256x1xf32>
    %lt3A_295 = arith.cmpf olt, %broadcast_in_dim3A_281, %lt3A_294 : vector<256x1xf32>
    %convert_element_type3A_296 = arith.extui %lt3A_295 : vector<256x1xi1> to vector<256x1xi32>
    %swap3A_297 = arith.constant 0 : index
    %swap3A_298 = arith.constant 8 : index
    %swap3A_299 = vector.load %arg4[%swap3A_297, %swap3A_298] : memref<256x16xi32, #tpu.memory_space<vmem>>, vector<256x1xi32>
    tpu.vector_store %arg4[%swap3A_297, %swap3A_298], %convert_element_type3A_296 {strides = array<i32>} : memref<256x16xi32, #tpu.memory_space<vmem>>, vector<256x1xi32>,
    %eq3A_300 = vector.broadcast %broadcast_in_dim3A_289 : vector<256x1xi32> to vector<256x10240xi32>
    %eq3A_301 = arith.cmpi eq, %iota3A, %eq3A_300 : vector<256x10240xi32>
    %jit3A_302 = arith.constant 0x7F800000 : f32
    %broadcast_in_dim3A_303 = vector.broadcast %jit3A_302 : f32 to vector<256x10240xf32>
    %select_n3A_304 = arith.select %eq3A_301, %broadcast_in_dim3A_303, %get3A_278 : vector<256x10240xi1>, vector<256x10240xf32>
    %swap3A_305 = arith.constant 0 : index
    %swap3A_306 = arith.constant 0 : index
    %swap3A_307 = vector.load %arg5[%swap3A_305, %swap3A_306] : memref<256x10240xf32, #tpu.memory_space<vmem>>, vector<256x10240xf32>
    tpu.vector_store %arg5[%swap3A_305, %swap3A_306], %select_n3A_304 {strides = array<i32>} : memref<256x10240xf32, #tpu.memory_space<vmem>>, vector<256x10240xf32>,
    %get3A_308 = arith.constant 0 : index
    %get3A_309 = arith.constant 0 : index
    %get3A_310 = vector.load %arg5[%get3A_308, %get3A_309] : memref<256x10240xf32, #tpu.memory_space<vmem>>, vector<256x10240xf32>
    %reduce_min3A_311 = arith.constant dense<0x7F800000> : vector<256xf32>
    %reduce_min3A_312 = vector.multi_reduction <minimumf>, %get3A_310, %reduce_min3A_311 [1] : vector<256x10240xf32> to vector<256xf32>
    %broadcast_in_dim3A_313 = vector.shape_cast %reduce_min3A_312 : vector<256xf32> to vector<256x1xf32>
    %eq3A_314 = vector.broadcast %broadcast_in_dim3A_313 : vector<256x1xf32> to vector<256x10240xf32>
    %eq3A_315 = arith.cmpf oeq, %get3A_310, %eq3A_314 : vector<256x10240xf32>
    %jit3A_316 = arith.constant 10240 : i32
    %broadcast_in_dim3A_317 = vector.broadcast %jit3A_316 : i32 to vector<256x10240xi32>
    %select_n3A_318 = arith.select %eq3A_315, %iota3A, %broadcast_in_dim3A_317 : vector<256x10240xi1>, vector<256x10240xi32>
    %reduce_min3A_319 = arith.constant dense<2147483647> : vector<256xi32>
    %reduce_min3A_320 = vector.multi_reduction <minsi>, %select_n3A_318, %reduce_min3A_319 [1] : vector<256x10240xi32> to vector<256xi32>
    %broadcast_in_dim3A_321 = vector.shape_cast %reduce_min3A_320 : vector<256xi32> to vector<256x1xi32>
    %swap3A_322 = arith.constant 0 : index
    %swap3A_323 = arith.constant 9 : index
    %swap3A_324 = vector.load %arg3[%swap3A_322, %swap3A_323] : memref<256x16xi32, #tpu.memory_space<vmem>>, vector<256x1xi32>
    tpu.vector_store %arg3[%swap3A_322, %swap3A_323], %broadcast_in_dim3A_321 {strides = array<i32>} : memref<256x16xi32, #tpu.memory_space<vmem>>, vector<256x1xi32>,
    %lt3A_325 = arith.constant 0x7F800000 : f32
    %lt3A_326 = vector.broadcast %lt3A_325 : f32 to vector<256x1xf32>
    %lt3A_327 = arith.cmpf olt, %broadcast_in_dim3A_313, %lt3A_326 : vector<256x1xf32>
    %convert_element_type3A_328 = arith.extui %lt3A_327 : vector<256x1xi1> to vector<256x1xi32>
    %swap3A_329 = arith.constant 0 : index
    %swap3A_330 = arith.constant 9 : index
    %swap3A_331 = vector.load %arg4[%swap3A_329, %swap3A_330] : memref<256x16xi32, #tpu.memory_space<vmem>>, vector<256x1xi32>
    tpu.vector_store %arg4[%swap3A_329, %swap3A_330], %convert_element_type3A_328 {strides = array<i32>} : memref<256x16xi32, #tpu.memory_space<vmem>>, vector<256x1xi32>,
    %eq3A_332 = vector.broadcast %broadcast_in_dim3A_321 : vector<256x1xi32> to vector<256x10240xi32>
    %eq3A_333 = arith.cmpi eq, %iota3A, %eq3A_332 : vector<256x10240xi32>
    %jit3A_334 = arith.constant 0x7F800000 : f32
    %broadcast_in_dim3A_335 = vector.broadcast %jit3A_334 : f32 to vector<256x10240xf32>
    %select_n3A_336 = arith.select %eq3A_333, %broadcast_in_dim3A_335, %get3A_310 : vector<256x10240xi1>, vector<256x10240xf32>
    %swap3A_337 = arith.constant 0 : index
    %swap3A_338 = arith.constant 0 : index
    %swap3A_339 = vector.load %arg5[%swap3A_337, %swap3A_338] : memref<256x10240xf32, #tpu.memory_space<vmem>>, vector<256x10240xf32>
    tpu.vector_store %arg5[%swap3A_337, %swap3A_338], %select_n3A_336 {strides = array<i32>} : memref<256x10240xf32, #tpu.memory_space<vmem>>, vector<256x10240xf32>,
    return
  }
  func.func @transform_0(%arg0: i32) -> (i32, i32) {
    %c0_i32 = arith.constant 0 : i32
    %c0_i32_0 = arith.constant 0 : i32
    return %arg0, %c0_i32 : i32, i32
  }
  func.func @transform_1(%arg0: i32) -> (i32, i32) {
    %c0_i32 = arith.constant 0 : i32
    %c0_i32_0 = arith.constant 0 : i32
    %c0_i32_1 = arith.constant 0 : i32
    return %c0_i32, %c0_i32_0 : i32, i32
  }
  func.func @transform_2(%arg0: i32) -> (i32, i32) {
    %c0_i32 = arith.constant 0 : i32
    %c0_i32_0 = arith.constant 0 : i32
    return %arg0, %c0_i32 : i32, i32
  }
  func.func @transform_3(%arg0: i32) -> (i32, i32) {
    %c0_i32 = arith.constant 0 : i32
    %c0_i32_0 = arith.constant 0 : i32
    return %arg0, %c0_i32 : i32, i32
  }
}

module attributes {stable_mosaic.version = 14 : i64} {
  func.func @_conv_body(%arg0: i32, %arg1: memref<512x16xf32, #tpu.memory_space<vmem>>, %arg2: memref<10x512x128xf32, #tpu.memory_space<vmem>>, %arg3: memref<512x16xi32, #tpu.memory_space<vmem>>, %arg4: memref<16x64xf32, #tpu.memory_space<vmem>>, %arg5: memref<1x64xf32, #tpu.memory_space<vmem>>, %arg6: memref<64x128xf32, #tpu.memory_space<vmem>>, %arg7: memref<1x128xf32, #tpu.memory_space<vmem>>, %arg8: memref<128x128xf32, #tpu.memory_space<vmem>>, %arg9: memref<1x128xf32, #tpu.memory_space<vmem>>, %arg10: memref<16x128xf32, #tpu.memory_space<vmem>>, %arg11: memref<16x128xf32, #tpu.memory_space<vmem>>, %arg12: memref<16x128xf32, #tpu.memory_space<vmem>>, %arg13: memref<512x128xf32, #tpu.memory_space<vmem>>) attributes {dimension_semantics = [#tpu.dimension_semantics<arbitrary>], iteration_bounds = array<i64: 10>, scalar_prefetch = 0 : i64, scratch_operands = 0 : i64, tpu.core_type = #tpu.core_type<tc>, window_params = [{transform_indices = @transform_0, window_bounds = array<i64: 512, 16>}, {transform_indices = @transform_1, window_bounds = array<i64: 10, 512, 128>}, {transform_indices = @transform_2, window_bounds = array<i64: 512, 16>}, {pipeline_mode = #tpu.pipeline_mode<synchronous>, transform_indices = @transform_3, window_bounds = array<i64: 16, 64>}, {pipeline_mode = #tpu.pipeline_mode<synchronous>, transform_indices = @transform_4, window_bounds = array<i64: 1, 64>}, {pipeline_mode = #tpu.pipeline_mode<synchronous>, transform_indices = @transform_5, window_bounds = array<i64: 64, 128>}, {pipeline_mode = #tpu.pipeline_mode<synchronous>, transform_indices = @transform_6, window_bounds = array<i64: 1, 128>}, {pipeline_mode = #tpu.pipeline_mode<synchronous>, transform_indices = @transform_7, window_bounds = array<i64: 128, 128>}, {pipeline_mode = #tpu.pipeline_mode<synchronous>, transform_indices = @transform_8, window_bounds = array<i64: 1, 128>}, {pipeline_mode = #tpu.pipeline_mode<synchronous>, transform_indices = @transform_9, window_bounds = array<i64: 16, 128>}, {pipeline_mode = #tpu.pipeline_mode<synchronous>, transform_indices = @transform_10, window_bounds = array<i64: 16, 128>}, {pipeline_mode = #tpu.pipeline_mode<synchronous>, transform_indices = @transform_11, window_bounds = array<i64: 16, 128>}, {transform_indices = @transform_12, window_bounds = array<i64: 512, 128>}]} {
    %get3A = arith.constant 0 : index
    %get3A_0 = arith.constant 0 : index
    %get3A_1 = vector.load %arg1[%get3A, %get3A_0] : memref<512x16xf32, #tpu.memory_space<vmem>>, vector<512x16xf32>
    %get3A_2 = arith.constant 0 : index
    %get3A_3 = arith.constant 0 : index
    %get3A_4 = vector.load %arg4[%get3A_2, %get3A_3] : memref<16x64xf32, #tpu.memory_space<vmem>>, vector<16x64xf32>
    %get3A_5 = arith.constant 0 : index
    %get3A_6 = arith.constant 0 : index
    %get3A_7 = vector.load %arg5[%get3A_5, %get3A_6] : memref<1x64xf32, #tpu.memory_space<vmem>>, vector<1x64xf32>
    %get3A_8 = arith.constant 0 : index
    %get3A_9 = arith.constant 0 : index
    %get3A_10 = vector.load %arg6[%get3A_8, %get3A_9] : memref<64x128xf32, #tpu.memory_space<vmem>>, vector<64x128xf32>
    %get3A_11 = arith.constant 0 : index
    %get3A_12 = arith.constant 0 : index
    %get3A_13 = vector.load %arg7[%get3A_11, %get3A_12] : memref<1x128xf32, #tpu.memory_space<vmem>>, vector<1x128xf32>
    %get3A_14 = arith.constant 0 : index
    %get3A_15 = arith.constant 0 : index
    %get3A_16 = vector.load %arg8[%get3A_14, %get3A_15] : memref<128x128xf32, #tpu.memory_space<vmem>>, vector<128x128xf32>
    %get3A_17 = arith.constant 0 : index
    %get3A_18 = arith.constant 0 : index
    %get3A_19 = vector.load %arg9[%get3A_17, %get3A_18] : memref<1x128xf32, #tpu.memory_space<vmem>>, vector<1x128xf32>
    %get3A_20 = arith.constant 0 : index
    %get3A_21 = arith.constant 0 : index
    %get3A_22 = vector.load %arg10[%get3A_20, %get3A_21] : memref<16x128xf32, #tpu.memory_space<vmem>>, vector<16x128xf32>
    %get3A_23 = arith.constant 0 : index
    %get3A_24 = arith.constant 0 : index
    %get3A_25 = vector.load %arg11[%get3A_23, %get3A_24] : memref<16x128xf32, #tpu.memory_space<vmem>>, vector<16x128xf32>
    %get3A_26 = arith.constant 0 : index
    %get3A_27 = arith.constant 0 : index
    %get3A_28 = vector.load %arg12[%get3A_26, %get3A_27] : memref<16x128xf32, #tpu.memory_space<vmem>>, vector<16x128xf32>
    %dot_general3A = arith.constant dense<0.000000e+00> : vector<512x128xf32>
    %dot_general3A_29 = tpu.matmul %get3A_1, %get3A_28, %dot_general3A {dimension_numbers = #tpu.dot_dimension_numbers<[1], [0], [0], [1], [0, 0, 1, 1], [], []>, transpose_lhs_hint = false} : vector<512x16xf32>, vector<16x128xf32>, vector<512x128xf32> -> vector<512x128xf32>
    %get3A_30 = arith.constant 0 : index
    %get3A_31 = arith.constant 0 : index
    %get3A_32 = arith.constant 0 : index
    %get3A_33 = vector.load %arg2[%get3A_30, %get3A_31, %get3A_32] : memref<10x512x128xf32, #tpu.memory_space<vmem>>, vector<1x512x128xf32>
    %get3A_34 = vector.shape_cast %get3A_33 : vector<1x512x128xf32> to vector<512x128xf32>
    %slice3A = vector.extract_strided_slice %get3A_34 {offsets = [0, 0], sizes = [512, 16], strides = [1, 1]} : vector<512x128xf32> to vector<512x16xf32>
    %dot_general3A_35 = arith.constant dense<0.000000e+00> : vector<512x128xf32>
    %dot_general3A_36 = tpu.matmul %slice3A, %get3A_25, %dot_general3A_35 {dimension_numbers = #tpu.dot_dimension_numbers<[1], [0], [0], [1], [0, 0, 1, 1], [], []>, transpose_lhs_hint = false} : vector<512x16xf32>, vector<16x128xf32>, vector<512x128xf32> -> vector<512x128xf32>
    %sub3A = arith.subf %get3A_1, %slice3A : vector<512x16xf32>
    %dot_general3A_37 = arith.constant dense<0.000000e+00> : vector<512x64xf32>
    %dot_general3A_38 = tpu.matmul %sub3A, %get3A_4, %dot_general3A_37 {dimension_numbers = #tpu.dot_dimension_numbers<[1], [0], [0], [1], [0, 0, 1, 1], [], []>, transpose_lhs_hint = false} : vector<512x16xf32>, vector<16x64xf32>, vector<512x64xf32> -> vector<512x64xf32>
    %add3A = vector.broadcast %get3A_7 : vector<1x64xf32> to vector<512x64xf32>
    %add3A_39 = arith.addf %dot_general3A_38, %add3A : vector<512x64xf32>
    %max3A = arith.constant 0.000000e+00 : f32
    %max3A_40 = vector.broadcast %max3A : f32 to vector<512x64xf32>
    %max3A_41 = arith.maximumf %add3A_39, %max3A_40 : vector<512x64xf32>
    %dot_general3A_42 = arith.constant dense<0.000000e+00> : vector<512x128xf32>
    %dot_general3A_43 = tpu.matmul %max3A_41, %get3A_10, %dot_general3A_42 {dimension_numbers = #tpu.dot_dimension_numbers<[1], [0], [0], [1], [0, 0, 1, 1], [], []>, transpose_lhs_hint = false} : vector<512x64xf32>, vector<64x128xf32>, vector<512x128xf32> -> vector<512x128xf32>
    %add3A_44 = vector.broadcast %get3A_13 : vector<1x128xf32> to vector<512x128xf32>
    %add3A_45 = arith.addf %dot_general3A_43, %add3A_44 : vector<512x128xf32>
    %sub3A_46 = arith.subf %dot_general3A_29, %dot_general3A_36 : vector<512x128xf32>
    %add3A_47 = arith.addf %sub3A_46, %add3A_45 : vector<512x128xf32>
    %dot_general3A_48 = arith.constant dense<0.000000e+00> : vector<512x128xf32>
    %dot_general3A_49 = tpu.matmul %add3A_47, %get3A_16, %dot_general3A_48 {dimension_numbers = #tpu.dot_dimension_numbers<[1], [0], [0], [1], [0, 0, 1, 1], [], []>, transpose_lhs_hint = false} : vector<512x128xf32>, vector<128x128xf32>, vector<512x128xf32> -> vector<512x128xf32>
    %add3A_50 = vector.broadcast %get3A_19 : vector<1x128xf32> to vector<512x128xf32>
    %add3A_51 = arith.addf %dot_general3A_49, %add3A_50 : vector<512x128xf32>
    %get3A_52 = arith.constant 0 : index
    %get3A_53 = arith.constant 0 : index
    %get3A_54 = vector.load %arg3[%get3A_52, %get3A_53] : memref<512x16xi32, #tpu.memory_space<vmem>>, vector<512x1xi32>
    %gt3A = arith.constant 0 : i32
    %gt3A_55 = vector.broadcast %gt3A : i32 to vector<512x1xi32>
    %gt3A_56 = arith.cmpi sgt, %get3A_54, %gt3A_55 : vector<512x1xi32>
    %jit3A = arith.constant -1.000000e+30 : f32
    %broadcast_in_dim3A = vector.shape_cast %gt3A_56 : vector<512x1xi1> to vector<512x1xi1>
    %broadcast_in_dim3A_57 = vector.broadcast %broadcast_in_dim3A : vector<512x1xi1> to vector<512x128xi1>
    %broadcast_in_dim3A_58 = vector.broadcast %jit3A : f32 to vector<512x128xf32>
    %select_n3A = arith.select %broadcast_in_dim3A_57, %add3A_51, %broadcast_in_dim3A_58 : vector<512x128xi1>, vector<512x128xf32>
    %dot_general3A_59 = arith.constant dense<0.000000e+00> : vector<512x128xf32>
    %dot_general3A_60 = tpu.matmul %slice3A, %get3A_22, %dot_general3A_59 {dimension_numbers = #tpu.dot_dimension_numbers<[1], [0], [0], [1], [0, 0, 1, 1], [], []>, transpose_lhs_hint = false} : vector<512x16xf32>, vector<16x128xf32>, vector<512x128xf32> -> vector<512x128xf32>
    %get3A_61 = arith.constant 1 : index
    %get3A_62 = arith.constant 0 : index
    %get3A_63 = arith.constant 0 : index
    %get3A_64 = vector.load %arg2[%get3A_61, %get3A_62, %get3A_63] : memref<10x512x128xf32, #tpu.memory_space<vmem>>, vector<1x512x128xf32>
    %get3A_65 = vector.shape_cast %get3A_64 : vector<1x512x128xf32> to vector<512x128xf32>
    %slice3A_66 = vector.extract_strided_slice %get3A_65 {offsets = [0, 0], sizes = [512, 16], strides = [1, 1]} : vector<512x128xf32> to vector<512x16xf32>
    %dot_general3A_67 = arith.constant dense<0.000000e+00> : vector<512x128xf32>
    %dot_general3A_68 = tpu.matmul %slice3A_66, %get3A_25, %dot_general3A_67 {dimension_numbers = #tpu.dot_dimension_numbers<[1], [0], [0], [1], [0, 0, 1, 1], [], []>, transpose_lhs_hint = false} : vector<512x16xf32>, vector<16x128xf32>, vector<512x128xf32> -> vector<512x128xf32>
    %sub3A_69 = arith.subf %get3A_1, %slice3A_66 : vector<512x16xf32>
    %dot_general3A_70 = arith.constant dense<0.000000e+00> : vector<512x64xf32>
    %dot_general3A_71 = tpu.matmul %sub3A_69, %get3A_4, %dot_general3A_70 {dimension_numbers = #tpu.dot_dimension_numbers<[1], [0], [0], [1], [0, 0, 1, 1], [], []>, transpose_lhs_hint = false} : vector<512x16xf32>, vector<16x64xf32>, vector<512x64xf32> -> vector<512x64xf32>
    %add3A_72 = vector.broadcast %get3A_7 : vector<1x64xf32> to vector<512x64xf32>
    %add3A_73 = arith.addf %dot_general3A_71, %add3A_72 : vector<512x64xf32>
    %max3A_74 = arith.constant 0.000000e+00 : f32
    %max3A_75 = vector.broadcast %max3A_74 : f32 to vector<512x64xf32>
    %max3A_76 = arith.maximumf %add3A_73, %max3A_75 : vector<512x64xf32>
    %dot_general3A_77 = arith.constant dense<0.000000e+00> : vector<512x128xf32>
    %dot_general3A_78 = tpu.matmul %max3A_76, %get3A_10, %dot_general3A_77 {dimension_numbers = #tpu.dot_dimension_numbers<[1], [0], [0], [1], [0, 0, 1, 1], [], []>, transpose_lhs_hint = false} : vector<512x64xf32>, vector<64x128xf32>, vector<512x128xf32> -> vector<512x128xf32>
    %add3A_79 = vector.broadcast %get3A_13 : vector<1x128xf32> to vector<512x128xf32>
    %add3A_80 = arith.addf %dot_general3A_78, %add3A_79 : vector<512x128xf32>
    %sub3A_81 = arith.subf %dot_general3A_29, %dot_general3A_68 : vector<512x128xf32>
    %add3A_82 = arith.addf %sub3A_81, %add3A_80 : vector<512x128xf32>
    %dot_general3A_83 = arith.constant dense<0.000000e+00> : vector<512x128xf32>
    %dot_general3A_84 = tpu.matmul %add3A_82, %get3A_16, %dot_general3A_83 {dimension_numbers = #tpu.dot_dimension_numbers<[1], [0], [0], [1], [0, 0, 1, 1], [], []>, transpose_lhs_hint = false} : vector<512x128xf32>, vector<128x128xf32>, vector<512x128xf32> -> vector<512x128xf32>
    %add3A_85 = vector.broadcast %get3A_19 : vector<1x128xf32> to vector<512x128xf32>
    %add3A_86 = arith.addf %dot_general3A_84, %add3A_85 : vector<512x128xf32>
    %get3A_87 = arith.constant 0 : index
    %get3A_88 = arith.constant 1 : index
    %get3A_89 = vector.load %arg3[%get3A_87, %get3A_88] : memref<512x16xi32, #tpu.memory_space<vmem>>, vector<512x1xi32>
    %gt3A_90 = arith.constant 0 : i32
    %gt3A_91 = vector.broadcast %gt3A_90 : i32 to vector<512x1xi32>
    %gt3A_92 = arith.cmpi sgt, %get3A_89, %gt3A_91 : vector<512x1xi32>
    %jit3A_93 = arith.constant -1.000000e+30 : f32
    %broadcast_in_dim3A_94 = vector.shape_cast %gt3A_92 : vector<512x1xi1> to vector<512x1xi1>
    %broadcast_in_dim3A_95 = vector.broadcast %broadcast_in_dim3A_94 : vector<512x1xi1> to vector<512x128xi1>
    %broadcast_in_dim3A_96 = vector.broadcast %jit3A_93 : f32 to vector<512x128xf32>
    %select_n3A_97 = arith.select %broadcast_in_dim3A_95, %add3A_86, %broadcast_in_dim3A_96 : vector<512x128xi1>, vector<512x128xf32>
    %dot_general3A_98 = arith.constant dense<0.000000e+00> : vector<512x128xf32>
    %dot_general3A_99 = tpu.matmul %slice3A_66, %get3A_22, %dot_general3A_98 {dimension_numbers = #tpu.dot_dimension_numbers<[1], [0], [0], [1], [0, 0, 1, 1], [], []>, transpose_lhs_hint = false} : vector<512x16xf32>, vector<16x128xf32>, vector<512x128xf32> -> vector<512x128xf32>
    %max3A_100 = arith.maximumf %select_n3A, %select_n3A_97 : vector<512x128xf32>
    %get3A_101 = arith.constant 2 : index
    %get3A_102 = arith.constant 0 : index
    %get3A_103 = arith.constant 0 : index
    %get3A_104 = vector.load %arg2[%get3A_101, %get3A_102, %get3A_103] : memref<10x512x128xf32, #tpu.memory_space<vmem>>, vector<1x512x128xf32>
    %get3A_105 = vector.shape_cast %get3A_104 : vector<1x512x128xf32> to vector<512x128xf32>
    %slice3A_106 = vector.extract_strided_slice %get3A_105 {offsets = [0, 0], sizes = [512, 16], strides = [1, 1]} : vector<512x128xf32> to vector<512x16xf32>
    %dot_general3A_107 = arith.constant dense<0.000000e+00> : vector<512x128xf32>
    %dot_general3A_108 = tpu.matmul %slice3A_106, %get3A_25, %dot_general3A_107 {dimension_numbers = #tpu.dot_dimension_numbers<[1], [0], [0], [1], [0, 0, 1, 1], [], []>, transpose_lhs_hint = false} : vector<512x16xf32>, vector<16x128xf32>, vector<512x128xf32> -> vector<512x128xf32>
    %sub3A_109 = arith.subf %get3A_1, %slice3A_106 : vector<512x16xf32>
    %dot_general3A_110 = arith.constant dense<0.000000e+00> : vector<512x64xf32>
    %dot_general3A_111 = tpu.matmul %sub3A_109, %get3A_4, %dot_general3A_110 {dimension_numbers = #tpu.dot_dimension_numbers<[1], [0], [0], [1], [0, 0, 1, 1], [], []>, transpose_lhs_hint = false} : vector<512x16xf32>, vector<16x64xf32>, vector<512x64xf32> -> vector<512x64xf32>
    %add3A_112 = vector.broadcast %get3A_7 : vector<1x64xf32> to vector<512x64xf32>
    %add3A_113 = arith.addf %dot_general3A_111, %add3A_112 : vector<512x64xf32>
    %max3A_114 = arith.constant 0.000000e+00 : f32
    %max3A_115 = vector.broadcast %max3A_114 : f32 to vector<512x64xf32>
    %max3A_116 = arith.maximumf %add3A_113, %max3A_115 : vector<512x64xf32>
    %dot_general3A_117 = arith.constant dense<0.000000e+00> : vector<512x128xf32>
    %dot_general3A_118 = tpu.matmul %max3A_116, %get3A_10, %dot_general3A_117 {dimension_numbers = #tpu.dot_dimension_numbers<[1], [0], [0], [1], [0, 0, 1, 1], [], []>, transpose_lhs_hint = false} : vector<512x64xf32>, vector<64x128xf32>, vector<512x128xf32> -> vector<512x128xf32>
    %add3A_119 = vector.broadcast %get3A_13 : vector<1x128xf32> to vector<512x128xf32>
    %add3A_120 = arith.addf %dot_general3A_118, %add3A_119 : vector<512x128xf32>
    %sub3A_121 = arith.subf %dot_general3A_29, %dot_general3A_108 : vector<512x128xf32>
    %add3A_122 = arith.addf %sub3A_121, %add3A_120 : vector<512x128xf32>
    %dot_general3A_123 = arith.constant dense<0.000000e+00> : vector<512x128xf32>
    %dot_general3A_124 = tpu.matmul %add3A_122, %get3A_16, %dot_general3A_123 {dimension_numbers = #tpu.dot_dimension_numbers<[1], [0], [0], [1], [0, 0, 1, 1], [], []>, transpose_lhs_hint = false} : vector<512x128xf32>, vector<128x128xf32>, vector<512x128xf32> -> vector<512x128xf32>
    %add3A_125 = vector.broadcast %get3A_19 : vector<1x128xf32> to vector<512x128xf32>
    %add3A_126 = arith.addf %dot_general3A_124, %add3A_125 : vector<512x128xf32>
    %get3A_127 = arith.constant 0 : index
    %get3A_128 = arith.constant 2 : index
    %get3A_129 = vector.load %arg3[%get3A_127, %get3A_128] : memref<512x16xi32, #tpu.memory_space<vmem>>, vector<512x1xi32>
    %gt3A_130 = arith.constant 0 : i32
    %gt3A_131 = vector.broadcast %gt3A_130 : i32 to vector<512x1xi32>
    %gt3A_132 = arith.cmpi sgt, %get3A_129, %gt3A_131 : vector<512x1xi32>
    %jit3A_133 = arith.constant -1.000000e+30 : f32
    %broadcast_in_dim3A_134 = vector.shape_cast %gt3A_132 : vector<512x1xi1> to vector<512x1xi1>
    %broadcast_in_dim3A_135 = vector.broadcast %broadcast_in_dim3A_134 : vector<512x1xi1> to vector<512x128xi1>
    %broadcast_in_dim3A_136 = vector.broadcast %jit3A_133 : f32 to vector<512x128xf32>
    %select_n3A_137 = arith.select %broadcast_in_dim3A_135, %add3A_126, %broadcast_in_dim3A_136 : vector<512x128xi1>, vector<512x128xf32>
    %dot_general3A_138 = arith.constant dense<0.000000e+00> : vector<512x128xf32>
    %dot_general3A_139 = tpu.matmul %slice3A_106, %get3A_22, %dot_general3A_138 {dimension_numbers = #tpu.dot_dimension_numbers<[1], [0], [0], [1], [0, 0, 1, 1], [], []>, transpose_lhs_hint = false} : vector<512x16xf32>, vector<16x128xf32>, vector<512x128xf32> -> vector<512x128xf32>
    %max3A_140 = arith.maximumf %max3A_100, %select_n3A_137 : vector<512x128xf32>
    %get3A_141 = arith.constant 3 : index
    %get3A_142 = arith.constant 0 : index
    %get3A_143 = arith.constant 0 : index
    %get3A_144 = vector.load %arg2[%get3A_141, %get3A_142, %get3A_143] : memref<10x512x128xf32, #tpu.memory_space<vmem>>, vector<1x512x128xf32>
    %get3A_145 = vector.shape_cast %get3A_144 : vector<1x512x128xf32> to vector<512x128xf32>
    %slice3A_146 = vector.extract_strided_slice %get3A_145 {offsets = [0, 0], sizes = [512, 16], strides = [1, 1]} : vector<512x128xf32> to vector<512x16xf32>
    %dot_general3A_147 = arith.constant dense<0.000000e+00> : vector<512x128xf32>
    %dot_general3A_148 = tpu.matmul %slice3A_146, %get3A_25, %dot_general3A_147 {dimension_numbers = #tpu.dot_dimension_numbers<[1], [0], [0], [1], [0, 0, 1, 1], [], []>, transpose_lhs_hint = false} : vector<512x16xf32>, vector<16x128xf32>, vector<512x128xf32> -> vector<512x128xf32>
    %sub3A_149 = arith.subf %get3A_1, %slice3A_146 : vector<512x16xf32>
    %dot_general3A_150 = arith.constant dense<0.000000e+00> : vector<512x64xf32>
    %dot_general3A_151 = tpu.matmul %sub3A_149, %get3A_4, %dot_general3A_150 {dimension_numbers = #tpu.dot_dimension_numbers<[1], [0], [0], [1], [0, 0, 1, 1], [], []>, transpose_lhs_hint = false} : vector<512x16xf32>, vector<16x64xf32>, vector<512x64xf32> -> vector<512x64xf32>
    %add3A_152 = vector.broadcast %get3A_7 : vector<1x64xf32> to vector<512x64xf32>
    %add3A_153 = arith.addf %dot_general3A_151, %add3A_152 : vector<512x64xf32>
    %max3A_154 = arith.constant 0.000000e+00 : f32
    %max3A_155 = vector.broadcast %max3A_154 : f32 to vector<512x64xf32>
    %max3A_156 = arith.maximumf %add3A_153, %max3A_155 : vector<512x64xf32>
    %dot_general3A_157 = arith.constant dense<0.000000e+00> : vector<512x128xf32>
    %dot_general3A_158 = tpu.matmul %max3A_156, %get3A_10, %dot_general3A_157 {dimension_numbers = #tpu.dot_dimension_numbers<[1], [0], [0], [1], [0, 0, 1, 1], [], []>, transpose_lhs_hint = false} : vector<512x64xf32>, vector<64x128xf32>, vector<512x128xf32> -> vector<512x128xf32>
    %add3A_159 = vector.broadcast %get3A_13 : vector<1x128xf32> to vector<512x128xf32>
    %add3A_160 = arith.addf %dot_general3A_158, %add3A_159 : vector<512x128xf32>
    %sub3A_161 = arith.subf %dot_general3A_29, %dot_general3A_148 : vector<512x128xf32>
    %add3A_162 = arith.addf %sub3A_161, %add3A_160 : vector<512x128xf32>
    %dot_general3A_163 = arith.constant dense<0.000000e+00> : vector<512x128xf32>
    %dot_general3A_164 = tpu.matmul %add3A_162, %get3A_16, %dot_general3A_163 {dimension_numbers = #tpu.dot_dimension_numbers<[1], [0], [0], [1], [0, 0, 1, 1], [], []>, transpose_lhs_hint = false} : vector<512x128xf32>, vector<128x128xf32>, vector<512x128xf32> -> vector<512x128xf32>
    %add3A_165 = vector.broadcast %get3A_19 : vector<1x128xf32> to vector<512x128xf32>
    %add3A_166 = arith.addf %dot_general3A_164, %add3A_165 : vector<512x128xf32>
    %get3A_167 = arith.constant 0 : index
    %get3A_168 = arith.constant 3 : index
    %get3A_169 = vector.load %arg3[%get3A_167, %get3A_168] : memref<512x16xi32, #tpu.memory_space<vmem>>, vector<512x1xi32>
    %gt3A_170 = arith.constant 0 : i32
    %gt3A_171 = vector.broadcast %gt3A_170 : i32 to vector<512x1xi32>
    %gt3A_172 = arith.cmpi sgt, %get3A_169, %gt3A_171 : vector<512x1xi32>
    %jit3A_173 = arith.constant -1.000000e+30 : f32
    %broadcast_in_dim3A_174 = vector.shape_cast %gt3A_172 : vector<512x1xi1> to vector<512x1xi1>
    %broadcast_in_dim3A_175 = vector.broadcast %broadcast_in_dim3A_174 : vector<512x1xi1> to vector<512x128xi1>
    %broadcast_in_dim3A_176 = vector.broadcast %jit3A_173 : f32 to vector<512x128xf32>
    %select_n3A_177 = arith.select %broadcast_in_dim3A_175, %add3A_166, %broadcast_in_dim3A_176 : vector<512x128xi1>, vector<512x128xf32>
    %dot_general3A_178 = arith.constant dense<0.000000e+00> : vector<512x128xf32>
    %dot_general3A_179 = tpu.matmul %slice3A_146, %get3A_22, %dot_general3A_178 {dimension_numbers = #tpu.dot_dimension_numbers<[1], [0], [0], [1], [0, 0, 1, 1], [], []>, transpose_lhs_hint = false} : vector<512x16xf32>, vector<16x128xf32>, vector<512x128xf32> -> vector<512x128xf32>
    %max3A_180 = arith.maximumf %max3A_140, %select_n3A_177 : vector<512x128xf32>
    %get3A_181 = arith.constant 4 : index
    %get3A_182 = arith.constant 0 : index
    %get3A_183 = arith.constant 0 : index
    %get3A_184 = vector.load %arg2[%get3A_181, %get3A_182, %get3A_183] : memref<10x512x128xf32, #tpu.memory_space<vmem>>, vector<1x512x128xf32>
    %get3A_185 = vector.shape_cast %get3A_184 : vector<1x512x128xf32> to vector<512x128xf32>
    %slice3A_186 = vector.extract_strided_slice %get3A_185 {offsets = [0, 0], sizes = [512, 16], strides = [1, 1]} : vector<512x128xf32> to vector<512x16xf32>
    %dot_general3A_187 = arith.constant dense<0.000000e+00> : vector<512x128xf32>
    %dot_general3A_188 = tpu.matmul %slice3A_186, %get3A_25, %dot_general3A_187 {dimension_numbers = #tpu.dot_dimension_numbers<[1], [0], [0], [1], [0, 0, 1, 1], [], []>, transpose_lhs_hint = false} : vector<512x16xf32>, vector<16x128xf32>, vector<512x128xf32> -> vector<512x128xf32>
    %sub3A_189 = arith.subf %get3A_1, %slice3A_186 : vector<512x16xf32>
    %dot_general3A_190 = arith.constant dense<0.000000e+00> : vector<512x64xf32>
    %dot_general3A_191 = tpu.matmul %sub3A_189, %get3A_4, %dot_general3A_190 {dimension_numbers = #tpu.dot_dimension_numbers<[1], [0], [0], [1], [0, 0, 1, 1], [], []>, transpose_lhs_hint = false} : vector<512x16xf32>, vector<16x64xf32>, vector<512x64xf32> -> vector<512x64xf32>
    %add3A_192 = vector.broadcast %get3A_7 : vector<1x64xf32> to vector<512x64xf32>
    %add3A_193 = arith.addf %dot_general3A_191, %add3A_192 : vector<512x64xf32>
    %max3A_194 = arith.constant 0.000000e+00 : f32
    %max3A_195 = vector.broadcast %max3A_194 : f32 to vector<512x64xf32>
    %max3A_196 = arith.maximumf %add3A_193, %max3A_195 : vector<512x64xf32>
    %dot_general3A_197 = arith.constant dense<0.000000e+00> : vector<512x128xf32>
    %dot_general3A_198 = tpu.matmul %max3A_196, %get3A_10, %dot_general3A_197 {dimension_numbers = #tpu.dot_dimension_numbers<[1], [0], [0], [1], [0, 0, 1, 1], [], []>, transpose_lhs_hint = false} : vector<512x64xf32>, vector<64x128xf32>, vector<512x128xf32> -> vector<512x128xf32>
    %add3A_199 = vector.broadcast %get3A_13 : vector<1x128xf32> to vector<512x128xf32>
    %add3A_200 = arith.addf %dot_general3A_198, %add3A_199 : vector<512x128xf32>
    %sub3A_201 = arith.subf %dot_general3A_29, %dot_general3A_188 : vector<512x128xf32>
    %add3A_202 = arith.addf %sub3A_201, %add3A_200 : vector<512x128xf32>
    %dot_general3A_203 = arith.constant dense<0.000000e+00> : vector<512x128xf32>
    %dot_general3A_204 = tpu.matmul %add3A_202, %get3A_16, %dot_general3A_203 {dimension_numbers = #tpu.dot_dimension_numbers<[1], [0], [0], [1], [0, 0, 1, 1], [], []>, transpose_lhs_hint = false} : vector<512x128xf32>, vector<128x128xf32>, vector<512x128xf32> -> vector<512x128xf32>
    %add3A_205 = vector.broadcast %get3A_19 : vector<1x128xf32> to vector<512x128xf32>
    %add3A_206 = arith.addf %dot_general3A_204, %add3A_205 : vector<512x128xf32>
    %get3A_207 = arith.constant 0 : index
    %get3A_208 = arith.constant 4 : index
    %get3A_209 = vector.load %arg3[%get3A_207, %get3A_208] : memref<512x16xi32, #tpu.memory_space<vmem>>, vector<512x1xi32>
    %gt3A_210 = arith.constant 0 : i32
    %gt3A_211 = vector.broadcast %gt3A_210 : i32 to vector<512x1xi32>
    %gt3A_212 = arith.cmpi sgt, %get3A_209, %gt3A_211 : vector<512x1xi32>
    %jit3A_213 = arith.constant -1.000000e+30 : f32
    %broadcast_in_dim3A_214 = vector.shape_cast %gt3A_212 : vector<512x1xi1> to vector<512x1xi1>
    %broadcast_in_dim3A_215 = vector.broadcast %broadcast_in_dim3A_214 : vector<512x1xi1> to vector<512x128xi1>
    %broadcast_in_dim3A_216 = vector.broadcast %jit3A_213 : f32 to vector<512x128xf32>
    %select_n3A_217 = arith.select %broadcast_in_dim3A_215, %add3A_206, %broadcast_in_dim3A_216 : vector<512x128xi1>, vector<512x128xf32>
    %dot_general3A_218 = arith.constant dense<0.000000e+00> : vector<512x128xf32>
    %dot_general3A_219 = tpu.matmul %slice3A_186, %get3A_22, %dot_general3A_218 {dimension_numbers = #tpu.dot_dimension_numbers<[1], [0], [0], [1], [0, 0, 1, 1], [], []>, transpose_lhs_hint = false} : vector<512x16xf32>, vector<16x128xf32>, vector<512x128xf32> -> vector<512x128xf32>
    %max3A_220 = arith.maximumf %max3A_180, %select_n3A_217 : vector<512x128xf32>
    %get3A_221 = arith.constant 5 : index
    %get3A_222 = arith.constant 0 : index
    %get3A_223 = arith.constant 0 : index
    %get3A_224 = vector.load %arg2[%get3A_221, %get3A_222, %get3A_223] : memref<10x512x128xf32, #tpu.memory_space<vmem>>, vector<1x512x128xf32>
    %get3A_225 = vector.shape_cast %get3A_224 : vector<1x512x128xf32> to vector<512x128xf32>
    %slice3A_226 = vector.extract_strided_slice %get3A_225 {offsets = [0, 0], sizes = [512, 16], strides = [1, 1]} : vector<512x128xf32> to vector<512x16xf32>
    %dot_general3A_227 = arith.constant dense<0.000000e+00> : vector<512x128xf32>
    %dot_general3A_228 = tpu.matmul %slice3A_226, %get3A_25, %dot_general3A_227 {dimension_numbers = #tpu.dot_dimension_numbers<[1], [0], [0], [1], [0, 0, 1, 1], [], []>, transpose_lhs_hint = false} : vector<512x16xf32>, vector<16x128xf32>, vector<512x128xf32> -> vector<512x128xf32>
    %sub3A_229 = arith.subf %get3A_1, %slice3A_226 : vector<512x16xf32>
    %dot_general3A_230 = arith.constant dense<0.000000e+00> : vector<512x64xf32>
    %dot_general3A_231 = tpu.matmul %sub3A_229, %get3A_4, %dot_general3A_230 {dimension_numbers = #tpu.dot_dimension_numbers<[1], [0], [0], [1], [0, 0, 1, 1], [], []>, transpose_lhs_hint = false} : vector<512x16xf32>, vector<16x64xf32>, vector<512x64xf32> -> vector<512x64xf32>
    %add3A_232 = vector.broadcast %get3A_7 : vector<1x64xf32> to vector<512x64xf32>
    %add3A_233 = arith.addf %dot_general3A_231, %add3A_232 : vector<512x64xf32>
    %max3A_234 = arith.constant 0.000000e+00 : f32
    %max3A_235 = vector.broadcast %max3A_234 : f32 to vector<512x64xf32>
    %max3A_236 = arith.maximumf %add3A_233, %max3A_235 : vector<512x64xf32>
    %dot_general3A_237 = arith.constant dense<0.000000e+00> : vector<512x128xf32>
    %dot_general3A_238 = tpu.matmul %max3A_236, %get3A_10, %dot_general3A_237 {dimension_numbers = #tpu.dot_dimension_numbers<[1], [0], [0], [1], [0, 0, 1, 1], [], []>, transpose_lhs_hint = false} : vector<512x64xf32>, vector<64x128xf32>, vector<512x128xf32> -> vector<512x128xf32>
    %add3A_239 = vector.broadcast %get3A_13 : vector<1x128xf32> to vector<512x128xf32>
    %add3A_240 = arith.addf %dot_general3A_238, %add3A_239 : vector<512x128xf32>
    %sub3A_241 = arith.subf %dot_general3A_29, %dot_general3A_228 : vector<512x128xf32>
    %add3A_242 = arith.addf %sub3A_241, %add3A_240 : vector<512x128xf32>
    %dot_general3A_243 = arith.constant dense<0.000000e+00> : vector<512x128xf32>
    %dot_general3A_244 = tpu.matmul %add3A_242, %get3A_16, %dot_general3A_243 {dimension_numbers = #tpu.dot_dimension_numbers<[1], [0], [0], [1], [0, 0, 1, 1], [], []>, transpose_lhs_hint = false} : vector<512x128xf32>, vector<128x128xf32>, vector<512x128xf32> -> vector<512x128xf32>
    %add3A_245 = vector.broadcast %get3A_19 : vector<1x128xf32> to vector<512x128xf32>
    %add3A_246 = arith.addf %dot_general3A_244, %add3A_245 : vector<512x128xf32>
    %get3A_247 = arith.constant 0 : index
    %get3A_248 = arith.constant 5 : index
    %get3A_249 = vector.load %arg3[%get3A_247, %get3A_248] : memref<512x16xi32, #tpu.memory_space<vmem>>, vector<512x1xi32>
    %gt3A_250 = arith.constant 0 : i32
    %gt3A_251 = vector.broadcast %gt3A_250 : i32 to vector<512x1xi32>
    %gt3A_252 = arith.cmpi sgt, %get3A_249, %gt3A_251 : vector<512x1xi32>
    %jit3A_253 = arith.constant -1.000000e+30 : f32
    %broadcast_in_dim3A_254 = vector.shape_cast %gt3A_252 : vector<512x1xi1> to vector<512x1xi1>
    %broadcast_in_dim3A_255 = vector.broadcast %broadcast_in_dim3A_254 : vector<512x1xi1> to vector<512x128xi1>
    %broadcast_in_dim3A_256 = vector.broadcast %jit3A_253 : f32 to vector<512x128xf32>
    %select_n3A_257 = arith.select %broadcast_in_dim3A_255, %add3A_246, %broadcast_in_dim3A_256 : vector<512x128xi1>, vector<512x128xf32>
    %dot_general3A_258 = arith.constant dense<0.000000e+00> : vector<512x128xf32>
    %dot_general3A_259 = tpu.matmul %slice3A_226, %get3A_22, %dot_general3A_258 {dimension_numbers = #tpu.dot_dimension_numbers<[1], [0], [0], [1], [0, 0, 1, 1], [], []>, transpose_lhs_hint = false} : vector<512x16xf32>, vector<16x128xf32>, vector<512x128xf32> -> vector<512x128xf32>
    %max3A_260 = arith.maximumf %max3A_220, %select_n3A_257 : vector<512x128xf32>
    %get3A_261 = arith.constant 6 : index
    %get3A_262 = arith.constant 0 : index
    %get3A_263 = arith.constant 0 : index
    %get3A_264 = vector.load %arg2[%get3A_261, %get3A_262, %get3A_263] : memref<10x512x128xf32, #tpu.memory_space<vmem>>, vector<1x512x128xf32>
    %get3A_265 = vector.shape_cast %get3A_264 : vector<1x512x128xf32> to vector<512x128xf32>
    %slice3A_266 = vector.extract_strided_slice %get3A_265 {offsets = [0, 0], sizes = [512, 16], strides = [1, 1]} : vector<512x128xf32> to vector<512x16xf32>
    %dot_general3A_267 = arith.constant dense<0.000000e+00> : vector<512x128xf32>
    %dot_general3A_268 = tpu.matmul %slice3A_266, %get3A_25, %dot_general3A_267 {dimension_numbers = #tpu.dot_dimension_numbers<[1], [0], [0], [1], [0, 0, 1, 1], [], []>, transpose_lhs_hint = false} : vector<512x16xf32>, vector<16x128xf32>, vector<512x128xf32> -> vector<512x128xf32>
    %sub3A_269 = arith.subf %get3A_1, %slice3A_266 : vector<512x16xf32>
    %dot_general3A_270 = arith.constant dense<0.000000e+00> : vector<512x64xf32>
    %dot_general3A_271 = tpu.matmul %sub3A_269, %get3A_4, %dot_general3A_270 {dimension_numbers = #tpu.dot_dimension_numbers<[1], [0], [0], [1], [0, 0, 1, 1], [], []>, transpose_lhs_hint = false} : vector<512x16xf32>, vector<16x64xf32>, vector<512x64xf32> -> vector<512x64xf32>
    %add3A_272 = vector.broadcast %get3A_7 : vector<1x64xf32> to vector<512x64xf32>
    %add3A_273 = arith.addf %dot_general3A_271, %add3A_272 : vector<512x64xf32>
    %max3A_274 = arith.constant 0.000000e+00 : f32
    %max3A_275 = vector.broadcast %max3A_274 : f32 to vector<512x64xf32>
    %max3A_276 = arith.maximumf %add3A_273, %max3A_275 : vector<512x64xf32>
    %dot_general3A_277 = arith.constant dense<0.000000e+00> : vector<512x128xf32>
    %dot_general3A_278 = tpu.matmul %max3A_276, %get3A_10, %dot_general3A_277 {dimension_numbers = #tpu.dot_dimension_numbers<[1], [0], [0], [1], [0, 0, 1, 1], [], []>, transpose_lhs_hint = false} : vector<512x64xf32>, vector<64x128xf32>, vector<512x128xf32> -> vector<512x128xf32>
    %add3A_279 = vector.broadcast %get3A_13 : vector<1x128xf32> to vector<512x128xf32>
    %add3A_280 = arith.addf %dot_general3A_278, %add3A_279 : vector<512x128xf32>
    %sub3A_281 = arith.subf %dot_general3A_29, %dot_general3A_268 : vector<512x128xf32>
    %add3A_282 = arith.addf %sub3A_281, %add3A_280 : vector<512x128xf32>
    %dot_general3A_283 = arith.constant dense<0.000000e+00> : vector<512x128xf32>
    %dot_general3A_284 = tpu.matmul %add3A_282, %get3A_16, %dot_general3A_283 {dimension_numbers = #tpu.dot_dimension_numbers<[1], [0], [0], [1], [0, 0, 1, 1], [], []>, transpose_lhs_hint = false} : vector<512x128xf32>, vector<128x128xf32>, vector<512x128xf32> -> vector<512x128xf32>
    %add3A_285 = vector.broadcast %get3A_19 : vector<1x128xf32> to vector<512x128xf32>
    %add3A_286 = arith.addf %dot_general3A_284, %add3A_285 : vector<512x128xf32>
    %get3A_287 = arith.constant 0 : index
    %get3A_288 = arith.constant 6 : index
    %get3A_289 = vector.load %arg3[%get3A_287, %get3A_288] : memref<512x16xi32, #tpu.memory_space<vmem>>, vector<512x1xi32>
    %gt3A_290 = arith.constant 0 : i32
    %gt3A_291 = vector.broadcast %gt3A_290 : i32 to vector<512x1xi32>
    %gt3A_292 = arith.cmpi sgt, %get3A_289, %gt3A_291 : vector<512x1xi32>
    %jit3A_293 = arith.constant -1.000000e+30 : f32
    %broadcast_in_dim3A_294 = vector.shape_cast %gt3A_292 : vector<512x1xi1> to vector<512x1xi1>
    %broadcast_in_dim3A_295 = vector.broadcast %broadcast_in_dim3A_294 : vector<512x1xi1> to vector<512x128xi1>
    %broadcast_in_dim3A_296 = vector.broadcast %jit3A_293 : f32 to vector<512x128xf32>
    %select_n3A_297 = arith.select %broadcast_in_dim3A_295, %add3A_286, %broadcast_in_dim3A_296 : vector<512x128xi1>, vector<512x128xf32>
    %dot_general3A_298 = arith.constant dense<0.000000e+00> : vector<512x128xf32>
    %dot_general3A_299 = tpu.matmul %slice3A_266, %get3A_22, %dot_general3A_298 {dimension_numbers = #tpu.dot_dimension_numbers<[1], [0], [0], [1], [0, 0, 1, 1], [], []>, transpose_lhs_hint = false} : vector<512x16xf32>, vector<16x128xf32>, vector<512x128xf32> -> vector<512x128xf32>
    %max3A_300 = arith.maximumf %max3A_260, %select_n3A_297 : vector<512x128xf32>
    %get3A_301 = arith.constant 7 : index
    %get3A_302 = arith.constant 0 : index
    %get3A_303 = arith.constant 0 : index
    %get3A_304 = vector.load %arg2[%get3A_301, %get3A_302, %get3A_303] : memref<10x512x128xf32, #tpu.memory_space<vmem>>, vector<1x512x128xf32>
    %get3A_305 = vector.shape_cast %get3A_304 : vector<1x512x128xf32> to vector<512x128xf32>
    %slice3A_306 = vector.extract_strided_slice %get3A_305 {offsets = [0, 0], sizes = [512, 16], strides = [1, 1]} : vector<512x128xf32> to vector<512x16xf32>
    %dot_general3A_307 = arith.constant dense<0.000000e+00> : vector<512x128xf32>
    %dot_general3A_308 = tpu.matmul %slice3A_306, %get3A_25, %dot_general3A_307 {dimension_numbers = #tpu.dot_dimension_numbers<[1], [0], [0], [1], [0, 0, 1, 1], [], []>, transpose_lhs_hint = false} : vector<512x16xf32>, vector<16x128xf32>, vector<512x128xf32> -> vector<512x128xf32>
    %sub3A_309 = arith.subf %get3A_1, %slice3A_306 : vector<512x16xf32>
    %dot_general3A_310 = arith.constant dense<0.000000e+00> : vector<512x64xf32>
    %dot_general3A_311 = tpu.matmul %sub3A_309, %get3A_4, %dot_general3A_310 {dimension_numbers = #tpu.dot_dimension_numbers<[1], [0], [0], [1], [0, 0, 1, 1], [], []>, transpose_lhs_hint = false} : vector<512x16xf32>, vector<16x64xf32>, vector<512x64xf32> -> vector<512x64xf32>
    %add3A_312 = vector.broadcast %get3A_7 : vector<1x64xf32> to vector<512x64xf32>
    %add3A_313 = arith.addf %dot_general3A_311, %add3A_312 : vector<512x64xf32>
    %max3A_314 = arith.constant 0.000000e+00 : f32
    %max3A_315 = vector.broadcast %max3A_314 : f32 to vector<512x64xf32>
    %max3A_316 = arith.maximumf %add3A_313, %max3A_315 : vector<512x64xf32>
    %dot_general3A_317 = arith.constant dense<0.000000e+00> : vector<512x128xf32>
    %dot_general3A_318 = tpu.matmul %max3A_316, %get3A_10, %dot_general3A_317 {dimension_numbers = #tpu.dot_dimension_numbers<[1], [0], [0], [1], [0, 0, 1, 1], [], []>, transpose_lhs_hint = false} : vector<512x64xf32>, vector<64x128xf32>, vector<512x128xf32> -> vector<512x128xf32>
    %add3A_319 = vector.broadcast %get3A_13 : vector<1x128xf32> to vector<512x128xf32>
    %add3A_320 = arith.addf %dot_general3A_318, %add3A_319 : vector<512x128xf32>
    %sub3A_321 = arith.subf %dot_general3A_29, %dot_general3A_308 : vector<512x128xf32>
    %add3A_322 = arith.addf %sub3A_321, %add3A_320 : vector<512x128xf32>
    %dot_general3A_323 = arith.constant dense<0.000000e+00> : vector<512x128xf32>
    %dot_general3A_324 = tpu.matmul %add3A_322, %get3A_16, %dot_general3A_323 {dimension_numbers = #tpu.dot_dimension_numbers<[1], [0], [0], [1], [0, 0, 1, 1], [], []>, transpose_lhs_hint = false} : vector<512x128xf32>, vector<128x128xf32>, vector<512x128xf32> -> vector<512x128xf32>
    %add3A_325 = vector.broadcast %get3A_19 : vector<1x128xf32> to vector<512x128xf32>
    %add3A_326 = arith.addf %dot_general3A_324, %add3A_325 : vector<512x128xf32>
    %get3A_327 = arith.constant 0 : index
    %get3A_328 = arith.constant 7 : index
    %get3A_329 = vector.load %arg3[%get3A_327, %get3A_328] : memref<512x16xi32, #tpu.memory_space<vmem>>, vector<512x1xi32>
    %gt3A_330 = arith.constant 0 : i32
    %gt3A_331 = vector.broadcast %gt3A_330 : i32 to vector<512x1xi32>
    %gt3A_332 = arith.cmpi sgt, %get3A_329, %gt3A_331 : vector<512x1xi32>
    %jit3A_333 = arith.constant -1.000000e+30 : f32
    %broadcast_in_dim3A_334 = vector.shape_cast %gt3A_332 : vector<512x1xi1> to vector<512x1xi1>
    %broadcast_in_dim3A_335 = vector.broadcast %broadcast_in_dim3A_334 : vector<512x1xi1> to vector<512x128xi1>
    %broadcast_in_dim3A_336 = vector.broadcast %jit3A_333 : f32 to vector<512x128xf32>
    %select_n3A_337 = arith.select %broadcast_in_dim3A_335, %add3A_326, %broadcast_in_dim3A_336 : vector<512x128xi1>, vector<512x128xf32>
    %dot_general3A_338 = arith.constant dense<0.000000e+00> : vector<512x128xf32>
    %dot_general3A_339 = tpu.matmul %slice3A_306, %get3A_22, %dot_general3A_338 {dimension_numbers = #tpu.dot_dimension_numbers<[1], [0], [0], [1], [0, 0, 1, 1], [], []>, transpose_lhs_hint = false} : vector<512x16xf32>, vector<16x128xf32>, vector<512x128xf32> -> vector<512x128xf32>
    %max3A_340 = arith.maximumf %max3A_300, %select_n3A_337 : vector<512x128xf32>
    %get3A_341 = arith.constant 8 : index
    %get3A_342 = arith.constant 0 : index
    %get3A_343 = arith.constant 0 : index
    %get3A_344 = vector.load %arg2[%get3A_341, %get3A_342, %get3A_343] : memref<10x512x128xf32, #tpu.memory_space<vmem>>, vector<1x512x128xf32>
    %get3A_345 = vector.shape_cast %get3A_344 : vector<1x512x128xf32> to vector<512x128xf32>
    %slice3A_346 = vector.extract_strided_slice %get3A_345 {offsets = [0, 0], sizes = [512, 16], strides = [1, 1]} : vector<512x128xf32> to vector<512x16xf32>
    %dot_general3A_347 = arith.constant dense<0.000000e+00> : vector<512x128xf32>
    %dot_general3A_348 = tpu.matmul %slice3A_346, %get3A_25, %dot_general3A_347 {dimension_numbers = #tpu.dot_dimension_numbers<[1], [0], [0], [1], [0, 0, 1, 1], [], []>, transpose_lhs_hint = false} : vector<512x16xf32>, vector<16x128xf32>, vector<512x128xf32> -> vector<512x128xf32>
    %sub3A_349 = arith.subf %get3A_1, %slice3A_346 : vector<512x16xf32>
    %dot_general3A_350 = arith.constant dense<0.000000e+00> : vector<512x64xf32>
    %dot_general3A_351 = tpu.matmul %sub3A_349, %get3A_4, %dot_general3A_350 {dimension_numbers = #tpu.dot_dimension_numbers<[1], [0], [0], [1], [0, 0, 1, 1], [], []>, transpose_lhs_hint = false} : vector<512x16xf32>, vector<16x64xf32>, vector<512x64xf32> -> vector<512x64xf32>
    %add3A_352 = vector.broadcast %get3A_7 : vector<1x64xf32> to vector<512x64xf32>
    %add3A_353 = arith.addf %dot_general3A_351, %add3A_352 : vector<512x64xf32>
    %max3A_354 = arith.constant 0.000000e+00 : f32
    %max3A_355 = vector.broadcast %max3A_354 : f32 to vector<512x64xf32>
    %max3A_356 = arith.maximumf %add3A_353, %max3A_355 : vector<512x64xf32>
    %dot_general3A_357 = arith.constant dense<0.000000e+00> : vector<512x128xf32>
    %dot_general3A_358 = tpu.matmul %max3A_356, %get3A_10, %dot_general3A_357 {dimension_numbers = #tpu.dot_dimension_numbers<[1], [0], [0], [1], [0, 0, 1, 1], [], []>, transpose_lhs_hint = false} : vector<512x64xf32>, vector<64x128xf32>, vector<512x128xf32> -> vector<512x128xf32>
    %add3A_359 = vector.broadcast %get3A_13 : vector<1x128xf32> to vector<512x128xf32>
    %add3A_360 = arith.addf %dot_general3A_358, %add3A_359 : vector<512x128xf32>
    %sub3A_361 = arith.subf %dot_general3A_29, %dot_general3A_348 : vector<512x128xf32>
    %add3A_362 = arith.addf %sub3A_361, %add3A_360 : vector<512x128xf32>
    %dot_general3A_363 = arith.constant dense<0.000000e+00> : vector<512x128xf32>
    %dot_general3A_364 = tpu.matmul %add3A_362, %get3A_16, %dot_general3A_363 {dimension_numbers = #tpu.dot_dimension_numbers<[1], [0], [0], [1], [0, 0, 1, 1], [], []>, transpose_lhs_hint = false} : vector<512x128xf32>, vector<128x128xf32>, vector<512x128xf32> -> vector<512x128xf32>
    %add3A_365 = vector.broadcast %get3A_19 : vector<1x128xf32> to vector<512x128xf32>
    %add3A_366 = arith.addf %dot_general3A_364, %add3A_365 : vector<512x128xf32>
    %get3A_367 = arith.constant 0 : index
    %get3A_368 = arith.constant 8 : index
    %get3A_369 = vector.load %arg3[%get3A_367, %get3A_368] : memref<512x16xi32, #tpu.memory_space<vmem>>, vector<512x1xi32>
    %gt3A_370 = arith.constant 0 : i32
    %gt3A_371 = vector.broadcast %gt3A_370 : i32 to vector<512x1xi32>
    %gt3A_372 = arith.cmpi sgt, %get3A_369, %gt3A_371 : vector<512x1xi32>
    %jit3A_373 = arith.constant -1.000000e+30 : f32
    %broadcast_in_dim3A_374 = vector.shape_cast %gt3A_372 : vector<512x1xi1> to vector<512x1xi1>
    %broadcast_in_dim3A_375 = vector.broadcast %broadcast_in_dim3A_374 : vector<512x1xi1> to vector<512x128xi1>
    %broadcast_in_dim3A_376 = vector.broadcast %jit3A_373 : f32 to vector<512x128xf32>
    %select_n3A_377 = arith.select %broadcast_in_dim3A_375, %add3A_366, %broadcast_in_dim3A_376 : vector<512x128xi1>, vector<512x128xf32>
    %dot_general3A_378 = arith.constant dense<0.000000e+00> : vector<512x128xf32>
    %dot_general3A_379 = tpu.matmul %slice3A_346, %get3A_22, %dot_general3A_378 {dimension_numbers = #tpu.dot_dimension_numbers<[1], [0], [0], [1], [0, 0, 1, 1], [], []>, transpose_lhs_hint = false} : vector<512x16xf32>, vector<16x128xf32>, vector<512x128xf32> -> vector<512x128xf32>
    %max3A_380 = arith.maximumf %max3A_340, %select_n3A_377 : vector<512x128xf32>
    %get3A_381 = arith.constant 9 : index
    %get3A_382 = arith.constant 0 : index
    %get3A_383 = arith.constant 0 : index
    %get3A_384 = vector.load %arg2[%get3A_381, %get3A_382, %get3A_383] : memref<10x512x128xf32, #tpu.memory_space<vmem>>, vector<1x512x128xf32>
    %get3A_385 = vector.shape_cast %get3A_384 : vector<1x512x128xf32> to vector<512x128xf32>
    %slice3A_386 = vector.extract_strided_slice %get3A_385 {offsets = [0, 0], sizes = [512, 16], strides = [1, 1]} : vector<512x128xf32> to vector<512x16xf32>
    %dot_general3A_387 = arith.constant dense<0.000000e+00> : vector<512x128xf32>
    %dot_general3A_388 = tpu.matmul %slice3A_386, %get3A_25, %dot_general3A_387 {dimension_numbers = #tpu.dot_dimension_numbers<[1], [0], [0], [1], [0, 0, 1, 1], [], []>, transpose_lhs_hint = false} : vector<512x16xf32>, vector<16x128xf32>, vector<512x128xf32> -> vector<512x128xf32>
    %sub3A_389 = arith.subf %get3A_1, %slice3A_386 : vector<512x16xf32>
    %dot_general3A_390 = arith.constant dense<0.000000e+00> : vector<512x64xf32>
    %dot_general3A_391 = tpu.matmul %sub3A_389, %get3A_4, %dot_general3A_390 {dimension_numbers = #tpu.dot_dimension_numbers<[1], [0], [0], [1], [0, 0, 1, 1], [], []>, transpose_lhs_hint = false} : vector<512x16xf32>, vector<16x64xf32>, vector<512x64xf32> -> vector<512x64xf32>
    %add3A_392 = vector.broadcast %get3A_7 : vector<1x64xf32> to vector<512x64xf32>
    %add3A_393 = arith.addf %dot_general3A_391, %add3A_392 : vector<512x64xf32>
    %max3A_394 = arith.constant 0.000000e+00 : f32
    %max3A_395 = vector.broadcast %max3A_394 : f32 to vector<512x64xf32>
    %max3A_396 = arith.maximumf %add3A_393, %max3A_395 : vector<512x64xf32>
    %dot_general3A_397 = arith.constant dense<0.000000e+00> : vector<512x128xf32>
    %dot_general3A_398 = tpu.matmul %max3A_396, %get3A_10, %dot_general3A_397 {dimension_numbers = #tpu.dot_dimension_numbers<[1], [0], [0], [1], [0, 0, 1, 1], [], []>, transpose_lhs_hint = false} : vector<512x64xf32>, vector<64x128xf32>, vector<512x128xf32> -> vector<512x128xf32>
    %add3A_399 = vector.broadcast %get3A_13 : vector<1x128xf32> to vector<512x128xf32>
    %add3A_400 = arith.addf %dot_general3A_398, %add3A_399 : vector<512x128xf32>
    %sub3A_401 = arith.subf %dot_general3A_29, %dot_general3A_388 : vector<512x128xf32>
    %add3A_402 = arith.addf %sub3A_401, %add3A_400 : vector<512x128xf32>
    %dot_general3A_403 = arith.constant dense<0.000000e+00> : vector<512x128xf32>
    %dot_general3A_404 = tpu.matmul %add3A_402, %get3A_16, %dot_general3A_403 {dimension_numbers = #tpu.dot_dimension_numbers<[1], [0], [0], [1], [0, 0, 1, 1], [], []>, transpose_lhs_hint = false} : vector<512x128xf32>, vector<128x128xf32>, vector<512x128xf32> -> vector<512x128xf32>
    %add3A_405 = vector.broadcast %get3A_19 : vector<1x128xf32> to vector<512x128xf32>
    %add3A_406 = arith.addf %dot_general3A_404, %add3A_405 : vector<512x128xf32>
    %get3A_407 = arith.constant 0 : index
    %get3A_408 = arith.constant 9 : index
    %get3A_409 = vector.load %arg3[%get3A_407, %get3A_408] : memref<512x16xi32, #tpu.memory_space<vmem>>, vector<512x1xi32>
    %gt3A_410 = arith.constant 0 : i32
    %gt3A_411 = vector.broadcast %gt3A_410 : i32 to vector<512x1xi32>
    %gt3A_412 = arith.cmpi sgt, %get3A_409, %gt3A_411 : vector<512x1xi32>
    %jit3A_413 = arith.constant -1.000000e+30 : f32
    %broadcast_in_dim3A_414 = vector.shape_cast %gt3A_412 : vector<512x1xi1> to vector<512x1xi1>
    %broadcast_in_dim3A_415 = vector.broadcast %broadcast_in_dim3A_414 : vector<512x1xi1> to vector<512x128xi1>
    %broadcast_in_dim3A_416 = vector.broadcast %jit3A_413 : f32 to vector<512x128xf32>
    %select_n3A_417 = arith.select %broadcast_in_dim3A_415, %add3A_406, %broadcast_in_dim3A_416 : vector<512x128xi1>, vector<512x128xf32>
    %dot_general3A_418 = arith.constant dense<0.000000e+00> : vector<512x128xf32>
    %dot_general3A_419 = tpu.matmul %slice3A_386, %get3A_22, %dot_general3A_418 {dimension_numbers = #tpu.dot_dimension_numbers<[1], [0], [0], [1], [0, 0, 1, 1], [], []>, transpose_lhs_hint = false} : vector<512x16xf32>, vector<16x128xf32>, vector<512x128xf32> -> vector<512x128xf32>
    %max3A_420 = arith.maximumf %max3A_380, %select_n3A_417 : vector<512x128xf32>
    %gt3A_421 = arith.constant -1.000000e+29 : f32
    %gt3A_422 = vector.broadcast %gt3A_421 : f32 to vector<512x128xf32>
    %gt3A_423 = arith.cmpf ogt, %max3A_420, %gt3A_422 : vector<512x128xf32>
    %jit3A_424 = arith.constant 0.000000e+00 : f32
    %broadcast_in_dim3A_425 = vector.broadcast %jit3A_424 : f32 to vector<512x128xf32>
    %select_n3A_426 = arith.select %gt3A_423, %max3A_420, %broadcast_in_dim3A_425 : vector<512x128xi1>, vector<512x128xf32>
    %broadcast_in_dim3A_427 = arith.constant 0.000000e+00 : f32
    %broadcast_in_dim3A_428 = vector.broadcast %broadcast_in_dim3A_427 : f32 to vector<512x128xf32>
    %broadcast_in_dim3A_429 = arith.constant 0.000000e+00 : f32
    %broadcast_in_dim3A_430 = vector.broadcast %broadcast_in_dim3A_429 : f32 to vector<512x128xf32>
    %sub3A_431 = arith.subf %select_n3A, %select_n3A_426 : vector<512x128xf32>
    %exp3A = math.exp %sub3A_431 : vector<512x128xf32>
    %add3A_432 = arith.addf %broadcast_in_dim3A_428, %exp3A : vector<512x128xf32>
    %add3A_433 = arith.addf %dot_general3A_60, %add3A_45 : vector<512x128xf32>
    %mul3A = arith.mulf %exp3A, %add3A_433 : vector<512x128xf32>
    %add3A_434 = arith.addf %broadcast_in_dim3A_430, %mul3A : vector<512x128xf32>
    %sub3A_435 = arith.subf %select_n3A_97, %select_n3A_426 : vector<512x128xf32>
    %exp3A_436 = math.exp %sub3A_435 : vector<512x128xf32>
    %add3A_437 = arith.addf %add3A_432, %exp3A_436 : vector<512x128xf32>
    %add3A_438 = arith.addf %dot_general3A_99, %add3A_80 : vector<512x128xf32>
    %mul3A_439 = arith.mulf %exp3A_436, %add3A_438 : vector<512x128xf32>
    %add3A_440 = arith.addf %add3A_434, %mul3A_439 : vector<512x128xf32>
    %sub3A_441 = arith.subf %select_n3A_137, %select_n3A_426 : vector<512x128xf32>
    %exp3A_442 = math.exp %sub3A_441 : vector<512x128xf32>
    %add3A_443 = arith.addf %add3A_437, %exp3A_442 : vector<512x128xf32>
    %add3A_444 = arith.addf %dot_general3A_139, %add3A_120 : vector<512x128xf32>
    %mul3A_445 = arith.mulf %exp3A_442, %add3A_444 : vector<512x128xf32>
    %add3A_446 = arith.addf %add3A_440, %mul3A_445 : vector<512x128xf32>
    %sub3A_447 = arith.subf %select_n3A_177, %select_n3A_426 : vector<512x128xf32>
    %exp3A_448 = math.exp %sub3A_447 : vector<512x128xf32>
    %add3A_449 = arith.addf %add3A_443, %exp3A_448 : vector<512x128xf32>
    %add3A_450 = arith.addf %dot_general3A_179, %add3A_160 : vector<512x128xf32>
    %mul3A_451 = arith.mulf %exp3A_448, %add3A_450 : vector<512x128xf32>
    %add3A_452 = arith.addf %add3A_446, %mul3A_451 : vector<512x128xf32>
    %sub3A_453 = arith.subf %select_n3A_217, %select_n3A_426 : vector<512x128xf32>
    %exp3A_454 = math.exp %sub3A_453 : vector<512x128xf32>
    %add3A_455 = arith.addf %add3A_449, %exp3A_454 : vector<512x128xf32>
    %add3A_456 = arith.addf %dot_general3A_219, %add3A_200 : vector<512x128xf32>
    %mul3A_457 = arith.mulf %exp3A_454, %add3A_456 : vector<512x128xf32>
    %add3A_458 = arith.addf %add3A_452, %mul3A_457 : vector<512x128xf32>
    %sub3A_459 = arith.subf %select_n3A_257, %select_n3A_426 : vector<512x128xf32>
    %exp3A_460 = math.exp %sub3A_459 : vector<512x128xf32>
    %add3A_461 = arith.addf %add3A_455, %exp3A_460 : vector<512x128xf32>
    %add3A_462 = arith.addf %dot_general3A_259, %add3A_240 : vector<512x128xf32>
    %mul3A_463 = arith.mulf %exp3A_460, %add3A_462 : vector<512x128xf32>
    %add3A_464 = arith.addf %add3A_458, %mul3A_463 : vector<512x128xf32>
    %sub3A_465 = arith.subf %select_n3A_297, %select_n3A_426 : vector<512x128xf32>
    %exp3A_466 = math.exp %sub3A_465 : vector<512x128xf32>
    %add3A_467 = arith.addf %add3A_461, %exp3A_466 : vector<512x128xf32>
    %add3A_468 = arith.addf %dot_general3A_299, %add3A_280 : vector<512x128xf32>
    %mul3A_469 = arith.mulf %exp3A_466, %add3A_468 : vector<512x128xf32>
    %add3A_470 = arith.addf %add3A_464, %mul3A_469 : vector<512x128xf32>
    %sub3A_471 = arith.subf %select_n3A_337, %select_n3A_426 : vector<512x128xf32>
    %exp3A_472 = math.exp %sub3A_471 : vector<512x128xf32>
    %add3A_473 = arith.addf %add3A_467, %exp3A_472 : vector<512x128xf32>
    %add3A_474 = arith.addf %dot_general3A_339, %add3A_320 : vector<512x128xf32>
    %mul3A_475 = arith.mulf %exp3A_472, %add3A_474 : vector<512x128xf32>
    %add3A_476 = arith.addf %add3A_470, %mul3A_475 : vector<512x128xf32>
    %sub3A_477 = arith.subf %select_n3A_377, %select_n3A_426 : vector<512x128xf32>
    %exp3A_478 = math.exp %sub3A_477 : vector<512x128xf32>
    %add3A_479 = arith.addf %add3A_473, %exp3A_478 : vector<512x128xf32>
    %add3A_480 = arith.addf %dot_general3A_379, %add3A_360 : vector<512x128xf32>
    %mul3A_481 = arith.mulf %exp3A_478, %add3A_480 : vector<512x128xf32>
    %add3A_482 = arith.addf %add3A_476, %mul3A_481 : vector<512x128xf32>
    %sub3A_483 = arith.subf %select_n3A_417, %select_n3A_426 : vector<512x128xf32>
    %exp3A_484 = math.exp %sub3A_483 : vector<512x128xf32>
    %add3A_485 = arith.addf %add3A_479, %exp3A_484 : vector<512x128xf32>
    %add3A_486 = arith.addf %dot_general3A_419, %add3A_400 : vector<512x128xf32>
    %mul3A_487 = arith.mulf %exp3A_484, %add3A_486 : vector<512x128xf32>
    %add3A_488 = arith.addf %add3A_482, %mul3A_487 : vector<512x128xf32>
    %max3A_489 = arith.constant 1.000000e-16 : f32
    %max3A_490 = vector.broadcast %max3A_489 : f32 to vector<512x128xf32>
    %max3A_491 = arith.maximumf %add3A_485, %max3A_490 : vector<512x128xf32>
    %div3A = arith.divf %add3A_488, %max3A_491 : vector<512x128xf32>
    %swap3A = arith.constant 0 : index
    %swap3A_492 = arith.constant 0 : index
    %swap3A_493 = vector.load %arg13[%swap3A, %swap3A_492] : memref<512x128xf32, #tpu.memory_space<vmem>>, vector<512x128xf32>
    tpu.vector_store %arg13[%swap3A, %swap3A_492], %div3A {strides = array<i32>} : memref<512x128xf32, #tpu.memory_space<vmem>>, vector<512x128xf32>,
    return
  }
  func.func @transform_0(%arg0: i32) -> (i32, i32) {
    %c0_i32 = arith.constant 0 : i32
    %c0_i32_0 = arith.constant 0 : i32
    return %arg0, %c0_i32 : i32, i32
  }
  func.func @transform_1(%arg0: i32) -> (i32, i32, i32) {
    %c0_i32 = arith.constant 0 : i32
    %c0_i32_0 = arith.constant 0 : i32
    %c0_i32_1 = arith.constant 0 : i32
    return %c0_i32, %arg0, %c0_i32_0 : i32, i32, i32
  }
  func.func @transform_2(%arg0: i32) -> (i32, i32) {
    %c0_i32 = arith.constant 0 : i32
    %c0_i32_0 = arith.constant 0 : i32
    return %arg0, %c0_i32 : i32, i32
  }
  func.func @transform_3(%arg0: i32) -> (i32, i32) {
    %c0_i32 = arith.constant 0 : i32
    %c0_i32_0 = arith.constant 0 : i32
    %c0_i32_1 = arith.constant 0 : i32
    return %c0_i32, %c0_i32_0 : i32, i32
  }
  func.func @transform_4(%arg0: i32) -> (i32, i32) {
    %c0_i32 = arith.constant 0 : i32
    %c0_i32_0 = arith.constant 0 : i32
    %c0_i32_1 = arith.constant 0 : i32
    return %c0_i32, %c0_i32_0 : i32, i32
  }
  func.func @transform_5(%arg0: i32) -> (i32, i32) {
    %c0_i32 = arith.constant 0 : i32
    %c0_i32_0 = arith.constant 0 : i32
    %c0_i32_1 = arith.constant 0 : i32
    return %c0_i32, %c0_i32_0 : i32, i32
  }
  func.func @transform_6(%arg0: i32) -> (i32, i32) {
    %c0_i32 = arith.constant 0 : i32
    %c0_i32_0 = arith.constant 0 : i32
    %c0_i32_1 = arith.constant 0 : i32
    return %c0_i32, %c0_i32_0 : i32, i32
  }
  func.func @transform_7(%arg0: i32) -> (i32, i32) {
    %c0_i32 = arith.constant 0 : i32
    %c0_i32_0 = arith.constant 0 : i32
    %c0_i32_1 = arith.constant 0 : i32
    return %c0_i32, %c0_i32_0 : i32, i32
  }
  func.func @transform_8(%arg0: i32) -> (i32, i32) {
    %c0_i32 = arith.constant 0 : i32
    %c0_i32_0 = arith.constant 0 : i32
    %c0_i32_1 = arith.constant 0 : i32
    return %c0_i32, %c0_i32_0 : i32, i32
  }
  func.func @transform_9(%arg0: i32) -> (i32, i32) {
    %c0_i32 = arith.constant 0 : i32
    %c0_i32_0 = arith.constant 0 : i32
    %c0_i32_1 = arith.constant 0 : i32
    return %c0_i32, %c0_i32_0 : i32, i32
  }
  func.func @transform_10(%arg0: i32) -> (i32, i32) {
    %c0_i32 = arith.constant 0 : i32
    %c0_i32_0 = arith.constant 0 : i32
    %c0_i32_1 = arith.constant 0 : i32
    return %c0_i32, %c0_i32_0 : i32, i32
  }
  func.func @transform_11(%arg0: i32) -> (i32, i32) {
    %c0_i32 = arith.constant 0 : i32
    %c0_i32_0 = arith.constant 0 : i32
    %c0_i32_1 = arith.constant 0 : i32
    return %c0_i32, %c0_i32_0 : i32, i32
  }
  func.func @transform_12(%arg0: i32) -> (i32, i32) {
    %c0_i32 = arith.constant 0 : i32
    %c0_i32_0 = arith.constant 0 : i32
    return %arg0, %c0_i32 : i32, i32
  }
}

</mosaic_0001>

<sc_bundles>
// kernel: kernel.10.cloned.1.call-start
scs
__scs_entry_jumppad:
0x0: {  	(pc) =	sbr.rel $0x88, $3  }
0x1: {  	(tag) =	ssettag $0x0;
	lr =	simm.s32 $0x1  }
0x2: {  	[smem:$0x3F97] =	sst lr;
	_ =	strace $0xD0000000  }
0x3: {  	_ = 	snop  }
0x4: {  	_ = 	snop  }
0x5: {  	_ = 	snop  }
0x6: {  	_ = 	snop  }
0x7: {  	_ = 	snop  }
__scs_overlays_trampoline_lowered:
0x8: {  	[smem:$0x3FA6] =	sst s0  }
0x9: {  	[smem:$0x3FA7] =	sst s1  }
0xa: {  	[smem:$0x3FA8] =	sst s2  }
0xb: {  	[smem:$0x3FA9] =	sst s3  }
0xc: {  	[smem:$0x3FAA] =	sst s4  }
0xd: {  	[smem:$0x3FAB] =	sst s5  }
0xe: {  	[smem:$0x3FAC] =	sst s6  }
0xf: {  	[smem:$0x3FAD] =	sst s7  }
0x10: {  	[smem:$0x3FAE] =	sst s8  }
0x11: {  	[smem:$0x3FAF] =	sst s9;
	s0 =	simm.s32 @!p0 $0x0  }
0x12: {  	s1 =	sld [smem:$0x3F95];
	s0 =	simm.s32 @p0 $0x1  }
0x13: {  	[smem:$0x3FB0] =	sst s0;
	s0 =	simm.s32 @!p1 $0x0  }
0x14: {  	s2 =	sld [smem:$0x3F94];
	s0 =	simm.s32 @p1 $0x1  }
0x15: {  	[smem:$0x3FB1] =	sst s0;
	s0 =	simm.s32 @!p2 $0x0  }
0x16: {  	s3 =	sld [smem:$0x3FDB];
	s0 =	simm.s32 @p2 $0x1  }
0x17: {  	s4 =	simm.s32 $0x1BF5;
	[smem:$0x3FB3] =	sst s0  }
0x18: {  	s0 =	sld [smem:$0x3F96];
	_ =	swait.ge [sflag:s4], $0x0  }
0x19: {  	s7 =	sld [smem:$0x3F97]  }
0x1a: {  	s8 =	sadd.s32 $0xFFFFE003, lr  }
0x1b: {  	s9 =	sadd.s32 $0xFFFFFEF7, lr;
	s5 =	simm.s32 $0xFFFFFFFF;
	p2 =	slt.u32 s8, $0xFFFFF086  }
0x1c: {  	p1 =	slt.u32 s9, $0xF7A;
	s5 =	simm.s32 @!p2 $0x0  }
0x1d: {  	s5 =	simm.s32 @p1 $0x1;
	p0 =	seq.s32 s7, s2  }
0x1e: {  	s7 =	smul.u32 @!p0 $0xF7A, s2;
	p2 =	seq.s32 @!p0 s5, $0x0  }
0x1f: {  	s9 =	smul.u32 $0xF7A, s1;
	s8 =	simm.s32 @!p0 $0x1BF5;
	p2 =	por !p2, p0  }
0x20: {  	[sflag:s8] =	ssyncset.s32 @!p0 $0xFFFFF086;
	s6 =	sadd.s32 @!p0 s3, s7;
	s7 =	simm.s32 @!p0 $0x108  }
0x21: {  	s3 =	sadd.s32 s3, s9;
	s6 =	sadd.s32 @!p0 $0x88, s6;
	s7 =	simm.s32 @p2 $0x1082  }
0x22: {  	[simem:s7], [sflag:s8] =	dma.local @!p0 [hbm:s6], $0xF7A  }
0x23: {  	s9 =	sor.u32 $0xD0000000, s2;
	s6 =	simm.s32 $0x108;
	_ =	swait.ge @!p0 [sflag:s8], $0x0  }
0x24: {  	s3 =	sadd.s32 $0x88, s3;
	s6 =	simm.s32 @!p1 $0x1082;
	[sflag:s4] =	ssyncset.s32 $0xFFFFF086  }
0x25: {  	[simem:s6], [sflag:s4] =	dma.local [hbm:s3], $0xF7A  }
0x26: {  	[smem:$0x3F97] =	sst s1;
	(tag) =	ssettag s2;
	_ =	strace s9  }
0x27: {  	s1 =	sld [smem:$0x3FA7]  }
0x28: {  	s2 =	sld [smem:$0x3FA8]  }
0x29: {  	s4 =	sld [smem:$0x3FAA]  }
0x2a: {  	p0 =	seq.s32 s5, $0x0;
	s5 =	sld [smem:$0x3FAB]  }
0x2b: {  	s6 =	sld [smem:$0x3FAC]  }
0x2c: {  	s7 =	sld [smem:$0x3FAD]  }
0x2d: {  	s3 =	simm.s32 $0x108;
	s8 =	sld [smem:$0x3FAE]  }
0x2e: {  	s3 =	simm.s32 @!p0 $0x1082;
	s9 =	sld [smem:$0x3FAF]  }
0x2f: {  	lr =	sadd.s32 s0, s3;
	s0 =	sld [smem:$0x3FA6]  }
0x30: {  	s3 =	sld [smem:$0x3FA9]  }
0x31: {  	[smem:$0x3FB2] =	sst s10  }
0x32: {  	s10 =	sld [smem:$0x3FB0];
	_ =	sdelay $0x3  }
0x33: {  	p0 =	seq.s32 s10, $0x1;
	s10 =	sld [smem:$0x3FB2];
	_ =	sdelay $0x3  }
0x34: {  	[smem:$0x3FB2] =	sst s10  }
0x35: {  	s10 =	sld [smem:$0x3FB1];
	_ =	sdelay $0x3  }
0x36: {  	p1 =	seq.s32 s10, $0x1;
	s10 =	sld [smem:$0x3FB2];
	_ =	sdelay $0x3  }
0x37: {  	[smem:$0x3FB2] =	sst s10  }
0x38: {  	s10 =	sld [smem:$0x3FB3]  }
0x39: {  	_ = 	snop;
	(pc) =	sbr.ind lr, $3  }
0x3a: {  	_ = 	snop  }
0x3b: {  	_ = 	snop  }
0x3c: {  	p2 =	seq.s32 s10, $0x1;
	s10 =	sld [smem:$0x3FB2]  }
0x3d: {  	_ =	shalt  }
0x3e: {  	_ =	shalt  }
0x3f: {  	_ =	shalt  }
0x40: {  	_ =	shalt  }
0x41: {  	_ =	shalt  }
0x42: {  	_ =	shalt  }
0x43: {  	_ =	shalt  }
0x44: {  	_ =	shalt  }
0x45: {  	_ =	shalt  }
0x46: {  	_ =	shalt  }
0x47: {  	_ =	shalt  }
0x48: {  	_ =	shalt  }
0x49: {  	_ =	shalt  }
0x4a: {  	_ =	shalt  }
0x4b: {  	_ =	shalt  }
0x4c: {  	_ =	shalt  }
0x4d: {  	_ =	shalt  }
0x4e: {  	_ =	shalt  }
0x4f: {  	_ =	shalt  }
0x50: {  	_ =	shalt  }
0x51: {  	_ =	shalt  }
0x52: {  	_ =	shalt  }
0x53: {  	_ =	shalt  }
0x54: {  	_ =	shalt  }
0x55: {  	_ =	shalt  }
0x56: {  	_ =	shalt  }
0x57: {  	_ =	shalt  }
0x58: {  	_ =	shalt  }
0x59: {  	_ =	shalt  }
0x5a: {  	_ =	shalt  }
0x5b: {  	_ =	shalt  }
0x5c: {  	_ =	shalt  }
0x5d: {  	_ =	shalt  }
0x5e: {  	_ =	shalt  }
0x5f: {  	_ =	shalt  }
0x60: {  	_ =	shalt  }
0x61: {  	_ =	shalt  }
0x62: {  	_ =	shalt  }
0x63: {  	_ =	shalt  }
0x64: {  	_ =	shalt  }
0x65: {  	_ =	shalt  }
0x66: {  	_ =	shalt  }
0x67: {  	_ =	shalt  }
0x68: {  	_ =	shalt  }
0x69: {  	_ =	shalt  }
0x6a: {  	_ =	shalt  }
0x6b: {  	_ =	shalt  }
0x6c: {  	_ =	shalt  }
0x6d: {  	_ =	shalt  }
0x6e: {  	_ =	shalt  }
0x6f: {  	_ =	shalt  }
0x70: {  	_ =	shalt  }
0x71: {  	_ =	shalt  }
0x72: {  	_ =	shalt  }
0x73: {  	_ =	shalt  }
0x74: {  	_ =	shalt  }
0x75: {  	_ =	shalt  }
0x76: {  	_ =	shalt  }
0x77: {  	_ =	shalt  }
0x78: {  	_ =	shalt  }
0x79: {  	_ =	shalt  }
0x7a: {  	_ =	shalt  }
0x7b: {  	_ =	shalt  }
0x7c: {  	_ =	shalt  }
0x7d: {  	_ =	shalt  }
0x7e: {  	_ =	shalt  }
0x7f: {  	_ =	shalt  }
0x80: {  	_ =	shalt  }
0x81: {  	_ =	shalt  }
0x82: {  	_ =	shalt  }
0x83: {  	_ =	shalt  }
0x84: {  	_ =	shalt  }
0x85: {  	_ =	shalt  }
0x86: {  	_ =	shalt  }
0x87: {  	_ =	shalt  }
.Lfunc_end0:
.L_simem_size_0:
called_computation.1_lowered:
.L_overlay_start_0:
0x88: {  	s2 =	sld [smem:$0x3FD9]  }
0x89: {  	s3 =	sld [smem:$0x3FFE];
	_ =	sdelay $0x1  }
0x8a: {  	s1 =	srdreg.scid  }
0x8b: {  	s0 =	sand.u32 $0x1, s1  }
0x8c: {  	s17 =	sshll.u32 s0, $0xA;
	s2 =	sadd.s32 s3, s2  }
0x8d: {  	s2 =	sadd.s32 s2, s17  }
0x8e: {  	[smem:$0x3FBE] =	sst s2  }
0x8f: {  	_ = 	snop  }
0x90: {  	s2 =	sld [smem:$0x3FD0];
	(tm) =	ssettm $0x1  }
0x91: {  	s18 =	sld [smem:$0x3FFB];
	_ =	sdelay $0x3  }
0x92: {  	_ =	strace s18  }
0x93: {  	s3 =	sld [smem:$0x3FFC];
	_ =	sdelay $0x3  }
0x94: {  	_ =	strace s3  }
0x95: {  	s3 =	sld [smem:$0x3FFD];
	_ =	sdelay $0x3  }
0x96: {  	_ =	strace s3  }
0x97: {  	_ =	strace $0x8FFFFFFF  }
0x98: {  	s19 =	sld [smem:$0x3FDB];
	_ =	sdelay $0x1  }
0x99: {  	s4 =	simm.s32 $_scs_section_size  }
0x9a: {  	s5 =	simm.s32 $_size__tile_overlayer_lowered;
	s6 =	simm.s32 $_tile_overlayer_lowered  }
0x9b: {  	s22 =	simm.s32 $0x1BFF;
	s21 =	sshll.u32 s6, $0x1;
	s3 =	sadd.s32 s4, s19  }
0x9c: {  	s7 =	simm.s32 $0x0;
	s20 =	sshll.u32 s5, $0x1;
	s5 =	sadd.s32 s21, s3  }
0x9d: {  	[timem:s7], [sflag:s22] =	dma.local [hbm:s5], s20  }
0x9e: {  	_ =	swait.ge [sflag:s22], s20  }
0x9f: {  	s4 =	ssub.s32 $0x0, s20;
	[sflag:s22] =	ssyncset.done $0x0  }
0xa0: {  	[sflag:s22] =	ssyncadd.s32 s4;
	_ =	sdelay $0x1  }
0xa1: {  	s23 =	simm.s32 $0x1B8B  }
0xa2: {  	_ =	swait.ge [sflag:s23], $0x1  }
0xa3: {  	[sflag:s23] =	ssyncset.done $0x0  }
0xa4: {  	s25 =	simm.s32 $0x1B8E;
	s24 =	sld [smem:$0x3FFE];
	[sflag:s23] =	ssyncadd.s32 $0xFFFFFFFF  }
0xa5: {  	s26 =	simm.s32 $execute0_lowered;
	[smem:$0x3FD2] =	sst s25  }
0xa6: {  	s5 =	sshll.u32 s26, $0x1;
	_ =	strace $0x80000049;
	[dreg:$0x1] =	wrdreg $0xFFFFFFFF  }
0xa7: {  	s28 =	simm.s32 $_size_execute0_lowered;
	s3 =	sadd.s32 s3, s5;
	[dreg:$0x0] =	wrdreg $0x0  }
0xa8: {  	s5 =	sshll.u32 s28, $0x1;
	[dreg:$0x2] =	wrdreg s3  }
0xa9: {  	[dreg:$0x3] =	wrdreg s5  }
0xaa: {  	[dreg:$0x4] =	wrdreg $0xC0  }
0xab: {  	_ =	task [dreg:s7], $0x5FFFF  }
0xac: {  	[dreg:$0x1] =	wrdreg $0xFFFFFFFF  }
0xad: {  	[dreg:$0x0] =	wrdreg $0x60  }
0xae: {  	[dreg:$0x2] =	wrdreg s24  }
0xaf: {  	[dreg:$0x3] =	wrdreg s2  }
0xb0: {  	[dreg:$0x4] =	wrdreg $0x9  }
0xb1: {  	_ =	task.clear_ibuf [dreg:s7], $0x5FFFF;
	_ =	strace $0x90000049  }
0xb2: {  	s29 =	simm.s32 $0x9;
	_ =	strace $0x8000004B  }
0xb3: {  	_ =	swait.ge [sflag:s29], $0x1  }
0xb4: {  	[sflag:s29] =	ssyncadd.s32 $0xFFFFFFFF  }
0xb5: {  	_ =	strace $0x9000004B  }
0xb6: {  	_ =	sfence  }
0xb7: {  	s30 =	sld [smem:$0x0];
	_ =	sdelay $0x2  }
0xb8: {  	s31 =	sshll.u32 s1, $0xD;
	s1 =	sshrl.u32 s1, $0x2  }
0xb9: {  	s3 =	sand.u32 $0x4000, s31;
	s1 =	sadd.s32 s1, s30  }
0xba: {  	s0 =	sor.u32 s3, s0;
	s1 =	sshll.u32 s1, $0x11  }
0xbb: {  	s0 =	sor.u32 s1, s0  }
0xbc: {  	s0 =	sadd.s32 $0x8F2B, s0  }
0xbd: {  	[sflag:s0] =	ssyncadd.remote.s32 $0x1  }
0xbe: {  	_ =	sfence.sel $0xFFFF  }
0xbf: {  	[dreg:$0x0] =	wrdreg $0xFFFFFFFF;
	(pc) =	sbr.abs _section_cstart, $3  }
0xc0: {  	[dreg:$0x1] =	wrdreg $0xFFFFFFFF  }
0xc1: {  	_ =	task.clear_ibuf [dreg:s7], $0x2FFFF;
	_ =	strace $0x9FFFFFFF  }
0xc2: {  	(tm) =	ssettm $0x7FFFFFFF  }
0xc3: {  	_ =	shalt  }
tec
execute0_lowered:
.L_overlay_start_1:
0x0: {  	(tag) =	ssettag $0x1  }
0x1: {  	s1 =	srdreg.scid;
	s0 =	stileid.u32  }
0x2: {  	s9 =	rddreg [dreg:$0x0];
	s13 =	sand.u32 $0x1, s1;
	s31 =	sshll.u32 s0, $0x1  }
0x3: {  	s3 =	rddreg [dreg:$0x1];
	s10 =	sor.u32 s13, s31  }
0x4: {  	s2 =	simm.s32 $0x0;
	s1 =	rddreg [dreg:$0x2];
	s4 =	smul.u32 $0xC8, s10  }
0x5: {  	[smem:$0x7FF] =	sst s2  }
0x6: {  	_ =	strace $0x8000004A;
	s4 =	sadd.s32 s3, s4;
	s3 =	simm.s32 $0x2  }
0x7: {  	[tilespmem:s2], [sflag:$0x2] =	stream.linear.gather [hbm4b:s4+s2], $0x640, $0x38;
	[tilespmem:$0xCE80] =	vst v63  }
0x8: {  	_ =	swait.ge [sflag:s3], $0x640  }
0x9: {  	s6 =	simm.s32 $0x190;
	s7 =	simm.s32 $0x680;
	[sflag:s3] =	ssyncset.done $0x0  }
0xa: {  	s8 =	simm.s32 $0x1;
	s5 =	sadd.s32 $0x1600, s9;
	[sflag:s3] =	ssyncadd.s32 $0xFFFFF9C0  }
0xb: {  	[tilespmem:s7], [sflag:$0x1] =	stream.indirect.gather [hbm4b:s5+s6], $0x80, s2, s6, $0xb8;
	[tilespmem:$0xCE80] =	vst v63  }
0xc: {  	s11 =	smul.u32 $0x6400, s10;
	_ =	swait.ge [sflag:s8], $0xC800  }
0xd: {  	s12 =	sadd.s32 $0x29600, s9;
	[sflag:s8] =	ssyncset.done $0x0  }
0xe: {  	s9 =	sadd.s32 s12, s11;
	[sflag:s8] =	ssyncadd.s32 $0xFFFF3800  }
0xf: {  	[hbm4b:s9+s2] =	stream.linear.scatter [tilespmem:s7], [sflag:$0x2], $0xC800, $0x38;
	[tilespmem:$0xCE80] =	vst v63  }
0x10: {  	_ =	swait.ge [sflag:s3], $0xC800  }
0x11: {  	[sflag:s3] =	ssyncset.done $0x0  }
0x12: {  	s10 =	smul.u32 $0x32000, s10;
	[sflag:s3] =	ssyncadd.s32 $0xFFFF3800  }
0x13: {  	[tilespmem:s7], [sflag:$0x1] =	stream.indirect.gather [hbm4b:s5+s6], $0x80, s6, s6, $0xb8;
	[tilespmem:$0xCE80] =	vst v63  }
0x14: {  	s10 =	sshrl.u32 s10, $0x3;
	_ =	swait.ge [sflag:s8], $0xC800  }
0x15: {  	s14 =	sadd.s32 s12, s10;
	[sflag:s8] =	ssyncset.done $0x0  }
0x16: {  	s10 =	sadd.s32 $0x1900, s14;
	[sflag:s8] =	ssyncadd.s32 $0xFFFF3800  }
0x17: {  	[hbm4b:s10+s2] =	stream.linear.scatter [tilespmem:s7], [sflag:$0x2], $0xC800, $0x38;
	[tilespmem:$0xCE80] =	vst v63  }
0x18: {  	_ =	swait.ge [sflag:s3], $0xC800  }
0x19: {  	[sflag:s3] =	ssyncset.done $0x0  }
0x1a: {  	s11 =	simm.s32 $0x320;
	[sflag:s3] =	ssyncadd.s32 $0xFFFF3800  }
0x1b: {  	[tilespmem:s7], [sflag:$0x1] =	stream.indirect.gather [hbm4b:s5+s6], $0x80, s11, s6, $0xb8;
	[tilespmem:$0xCE80] =	vst v63  }
0x1c: {  	_ =	swait.ge [sflag:s8], $0xC800  }
0x1d: {  	[sflag:s8] =	ssyncset.done $0x0  }
0x1e: {  	s15 =	ssub.s32 $0x2, s13;
	s12 =	sadd.s32 $0x3200, s14;
	[sflag:s8] =	ssyncadd.s32 $0xFFFF3800  }
0x1f: {  	[hbm4b:s12+s2] =	stream.linear.scatter [tilespmem:s7], [sflag:$0x2], $0xC800, $0x38;
	[tilespmem:$0xCE80] =	vst v63  }
0x20: {  	s16 =	sshrl.u32 s15, $0x1;
	_ =	swait.ge [sflag:s3], $0xC800  }
0x21: {  	s15 =	ssub.s32 s15, s16;
	[sflag:s3] =	ssyncset.done $0x0  }
0x22: {  	s13 =	simm.s32 $0x4B0;
	s15 =	smax.u32 s15, $0x1;
	[sflag:s3] =	ssyncadd.s32 $0xFFFF3800  }
0x23: {  	[tilespmem:s7], [sflag:$0x1] =	stream.indirect.gather [hbm4b:s5+s6], $0x80, s13, s6, $0xb8;
	[tilespmem:$0xCE80] =	vst v63  }
0x24: {  	p0 =	sne.s32 s15, $0x1;
	_ =	swait.ge [sflag:s8], $0xC800  }
.Ltmp0:
0x25: {  	[sflag:s8] =	ssyncset.done $0x0;
	(pc) =	sbr.rel @!p0 .LBB2_2-.Ltmp0, $4  }
0x26: {  	s14 =	sadd.s32 $0x4B00, s14;
	[sflag:s8] =	ssyncadd.s32 $0xFFFF3800  }
0x27: {  	[hbm4b:s14+s2] =	stream.linear.scatter [tilespmem:s7], [sflag:$0x2], $0xC800, $0x38;
	[tilespmem:$0xCE80] =	vst v63  }
0x28: {  	_ =	swait.ge [sflag:s3], $0xC800  }
0x29: {  	s15 =	sadd.s32 $0xFFFFFFFF, s15;
	[sflag:s3] =	ssyncset.done $0x0  }
.LBB2_1:
0x2a: {  	p0 =	sne.s32 s15, $0x1;
	s15 =	sadd.s32 $0xFFFFFFFF, s15;
	[sflag:s3] =	ssyncadd.s32 $0xFFFF3800  }
0x2b: {  	[tilespmem:s2], [sflag:$0x2] =	stream.linear.gather [hbm4b:s4+s2], $0x640, $0x38;
	[tilespmem:$0xCE80] =	vst v63  }
0x2c: {  	_ =	swait.ge [sflag:s3], $0x640  }
0x2d: {  	[sflag:s3] =	ssyncset.done $0x0  }
0x2e: {  	[sflag:s3] =	ssyncadd.s32 $0xFFFFF9C0  }
0x2f: {  	[tilespmem:s7], [sflag:$0x1] =	stream.indirect.gather [hbm4b:s5+s6], $0x80, s2, s6, $0xb8;
	[tilespmem:$0xCE80] =	vst v63  }
0x30: {  	_ =	swait.ge [sflag:s8], $0xC800  }
0x31: {  	[sflag:s8] =	ssyncset.done $0x0  }
0x32: {  	[sflag:s8] =	ssyncadd.s32 $0xFFFF3800  }
0x33: {  	[hbm4b:s9+s2] =	stream.linear.scatter [tilespmem:s7], [sflag:$0x2], $0xC800, $0x38;
	[tilespmem:$0xCE80] =	vst v63  }
0x34: {  	_ =	swait.ge [sflag:s3], $0xC800  }
0x35: {  	[sflag:s3] =	ssyncset.done $0x0  }
0x36: {  	[sflag:s3] =	ssyncadd.s32 $0xFFFF3800  }
0x37: {  	[tilespmem:s7], [sflag:$0x1] =	stream.indirect.gather [hbm4b:s5+s6], $0x80, s6, s6, $0xb8;
	[tilespmem:$0xCE80] =	vst v63  }
0x38: {  	_ =	swait.ge [sflag:s8], $0xC800  }
0x39: {  	[sflag:s8] =	ssyncset.done $0x0  }
0x3a: {  	[sflag:s8] =	ssyncadd.s32 $0xFFFF3800  }
0x3b: {  	[hbm4b:s10+s2] =	stream.linear.scatter [tilespmem:s7], [sflag:$0x2], $0xC800, $0x38;
	[tilespmem:$0xCE80] =	vst v63  }
0x3c: {  	_ =	swait.ge [sflag:s3], $0xC800  }
0x3d: {  	[sflag:s3] =	ssyncset.done $0x0  }
0x3e: {  	[sflag:s3] =	ssyncadd.s32 $0xFFFF3800  }
0x3f: {  	[tilespmem:s7], [sflag:$0x1] =	stream.indirect.gather [hbm4b:s5+s6], $0x80, s11, s6, $0xb8;
	[tilespmem:$0xCE80] =	vst v63  }
0x40: {  	_ =	swait.ge [sflag:s8], $0xC800  }
0x41: {  	[sflag:s8] =	ssyncset.done $0x0  }
0x42: {  	[sflag:s8] =	ssyncadd.s32 $0xFFFF3800  }
0x43: {  	[hbm4b:s12+s2] =	stream.linear.scatter [tilespmem:s7], [sflag:$0x2], $0xC800, $0x38;
	[tilespmem:$0xCE80] =	vst v63  }
0x44: {  	_ =	swait.ge [sflag:s3], $0xC800  }
0x45: {  	[sflag:s3] =	ssyncset.done $0x0  }
0x46: {  	[sflag:s3] =	ssyncadd.s32 $0xFFFF3800  }
0x47: {  	[tilespmem:s7], [sflag:$0x1] =	stream.indirect.gather [hbm4b:s5+s6], $0x80, s13, s6, $0xb8;
	[tilespmem:$0xCE80] =	vst v63  }
0x48: {  	_ =	swait.ge [sflag:s8], $0xC800  }
.Ltmp1:
0x49: {  	[sflag:s8] =	ssyncset.done $0x0;
	(pc) =	sbr.rel @p0 .LBB2_1-.Ltmp1, $4  }
0x4a: {  	[sflag:s8] =	ssyncadd.s32 $0xFFFF3800  }
0x4b: {  	[hbm4b:s14+s2] =	stream.linear.scatter [tilespmem:s7], [sflag:$0x2], $0xC800, $0x38;
	[tilespmem:$0xCE80] =	vst v63  }
0x4c: {  	_ =	swait.ge [sflag:s3], $0xC800  }
0x4d: {  	[sflag:s3] =	ssyncset.done $0x0  }
.LBB2_2:
0x4e: {  	[sflag:s3] =	ssyncadd.s32 $0xFFFF3800  }
0x4f: {  	_ =	sfence.sel $0x180000  }
0x50: {  	[bflag:$0x0] =	sbarrier.arrive $0xFFFF  }
0x51: {  	p0 =	sne.s32 s0, $0x0;
	_ =	strace $0x9000004A  }
0x52: {  	s0 =	sadd.s32 @!p0 $0x100000, s1;
	[bflag:$0x2] =	sbarrier.arrive $0xFFFF  }
0x53: {  	[sflag:s0] =	ssyncadd.tile.s32 @!p0 $0x1;
	_ =	shalt  }
.Lfunc_end2:
_tile_overlayer_lowered:
.L_overlay_start_2:
0x54: {  	(tag) =	ssettag $0x2  }
0x55: {  	s0 =	rddreg [dreg:$0x0];
	s2 =	stileid.u32  }
0x56: {  	s1 =	rddreg [dreg:$0x1];
	p0 =	sne.s32 s2, $0x0  }
0x57: {  	s3 =	rddreg [dreg:$0x2];
	[bflag:$0x3] =	sbarrier.arrive $0xFFFF;
	s2 =	simm.s32 @!p0 $0x1C02  }
0x58: {  	[timem:s3], [sflag:s2] =	dma.local @!p0 [hbm:s0], s1  }
0x59: {  	s0 =	simm.s32 @!p0 $0x2  }
0x5a: {  	_ =	swait.ge @!p0 [sflag:s0], s1  }
0x5b: {  	s1 =	ssub.s32 @!p0 $0x0, s1;
	[sflag:s0] =	ssyncset.done @!p0 $0x0  }
0x5c: {  	[sflag:s0] =	ssyncadd.s32 @!p0 s1  }
0x5d: {  	[bflag:$0x3] =	sbarrier.arrive $0xFFFF  }
0x5e: {  	_ =	shalt  }

// kernel: kernel.7.cloned.1.call-start
scs
__scs_entry_jumppad:
0x0: {  	(pc) =	sbr.rel $0x88, $3  }
0x1: {  	(tag) =	ssettag $0x0;
	lr =	simm.s32 $0x1  }
0x2: {  	[smem:$0x3F97] =	sst lr;
	_ =	strace $0xD0000000  }
0x3: {  	_ = 	snop  }
0x4: {  	_ = 	snop  }
0x5: {  	_ = 	snop  }
0x6: {  	_ = 	snop  }
0x7: {  	_ = 	snop  }
__scs_overlays_trampoline_lowered:
0x8: {  	[smem:$0x3FA6] =	sst s0  }
0x9: {  	[smem:$0x3FA7] =	sst s1  }
0xa: {  	[smem:$0x3FA8] =	sst s2  }
0xb: {  	[smem:$0x3FA9] =	sst s3  }
0xc: {  	[smem:$0x3FAA] =	sst s4  }
0xd: {  	[smem:$0x3FAB] =	sst s5  }
0xe: {  	[smem:$0x3FAC] =	sst s6  }
0xf: {  	[smem:$0x3FAD] =	sst s7  }
0x10: {  	[smem:$0x3FAE] =	sst s8  }
0x11: {  	[smem:$0x3FAF] =	sst s9;
	s0 =	simm.s32 @!p0 $0x0  }
0x12: {  	s1 =	sld [smem:$0x3F95];
	s0 =	simm.s32 @p0 $0x1  }
0x13: {  	[smem:$0x3FB0] =	sst s0;
	s0 =	simm.s32 @!p1 $0x0  }
0x14: {  	s2 =	sld [smem:$0x3F94];
	s0 =	simm.s32 @p1 $0x1  }
0x15: {  	[smem:$0x3FB1] =	sst s0;
	s0 =	simm.s32 @!p2 $0x0  }
0x16: {  	s3 =	sld [smem:$0x3FDB];
	s0 =	simm.s32 @p2 $0x1  }
0x17: {  	s4 =	simm.s32 $0x1BF5;
	[smem:$0x3FB3] =	sst s0  }
0x18: {  	s0 =	sld [smem:$0x3F96];
	_ =	swait.ge [sflag:s4], $0x0  }
0x19: {  	s7 =	sld [smem:$0x3F97]  }
0x1a: {  	s8 =	sadd.s32 $0xFFFFE003, lr  }
0x1b: {  	s9 =	sadd.s32 $0xFFFFFEF7, lr;
	s5 =	simm.s32 $0xFFFFFFFF;
	p2 =	slt.u32 s8, $0xFFFFF086  }
0x1c: {  	p1 =	slt.u32 s9, $0xF7A;
	s5 =	simm.s32 @!p2 $0x0  }
0x1d: {  	s5 =	simm.s32 @p1 $0x1;
	p0 =	seq.s32 s7, s2  }
0x1e: {  	s7 =	smul.u32 @!p0 $0xF7A, s2;
	p2 =	seq.s32 @!p0 s5, $0x0  }
0x1f: {  	s9 =	smul.u32 $0xF7A, s1;
	s8 =	simm.s32 @!p0 $0x1BF5;
	p2 =	por !p2, p0  }
0x20: {  	[sflag:s8] =	ssyncset.s32 @!p0 $0xFFFFF086;
	s6 =	sadd.s32 @!p0 s3, s7;
	s7 =	simm.s32 @!p0 $0x108  }
0x21: {  	s3 =	sadd.s32 s3, s9;
	s6 =	sadd.s32 @!p0 $0x88, s6;
	s7 =	simm.s32 @p2 $0x1082  }
0x22: {  	[simem:s7], [sflag:s8] =	dma.local @!p0 [hbm:s6], $0xF7A  }
0x23: {  	s9 =	sor.u32 $0xD0000000, s2;
	s6 =	simm.s32 $0x108;
	_ =	swait.ge @!p0 [sflag:s8], $0x0  }
0x24: {  	s3 =	sadd.s32 $0x88, s3;
	s6 =	simm.s32 @!p1 $0x1082;
	[sflag:s4] =	ssyncset.s32 $0xFFFFF086  }
0x25: {  	[simem:s6], [sflag:s4] =	dma.local [hbm:s3], $0xF7A  }
0x26: {  	[smem:$0x3F97] =	sst s1;
	(tag) =	ssettag s2;
	_ =	strace s9  }
0x27: {  	s1 =	sld [smem:$0x3FA7]  }
0x28: {  	s2 =	sld [smem:$0x3FA8]  }
0x29: {  	s4 =	sld [smem:$0x3FAA]  }
0x2a: {  	p0 =	seq.s32 s5, $0x0;
	s5 =	sld [smem:$0x3FAB]  }
0x2b: {  	s6 =	sld [smem:$0x3FAC]  }
0x2c: {  	s7 =	sld [smem:$0x3FAD]  }
0x2d: {  	s3 =	simm.s32 $0x108;
	s8 =	sld [smem:$0x3FAE]  }
0x2e: {  	s3 =	simm.s32 @!p0 $0x1082;
	s9 =	sld [smem:$0x3FAF]  }
0x2f: {  	lr =	sadd.s32 s0, s3;
	s0 =	sld [smem:$0x3FA6]  }
0x30: {  	s3 =	sld [smem:$0x3FA9]  }
0x31: {  	[smem:$0x3FB2] =	sst s10  }
0x32: {  	s10 =	sld [smem:$0x3FB0];
	_ =	sdelay $0x3  }
0x33: {  	p0 =	seq.s32 s10, $0x1;
	s10 =	sld [smem:$0x3FB2];
	_ =	sdelay $0x3  }
0x34: {  	[smem:$0x3FB2] =	sst s10  }
0x35: {  	s10 =	sld [smem:$0x3FB1];
	_ =	sdelay $0x3  }
0x36: {  	p1 =	seq.s32 s10, $0x1;
	s10 =	sld [smem:$0x3FB2];
	_ =	sdelay $0x3  }
0x37: {  	[smem:$0x3FB2] =	sst s10  }
0x38: {  	s10 =	sld [smem:$0x3FB3]  }
0x39: {  	_ = 	snop;
	(pc) =	sbr.ind lr, $3  }
0x3a: {  	_ = 	snop  }
0x3b: {  	_ = 	snop  }
0x3c: {  	p2 =	seq.s32 s10, $0x1;
	s10 =	sld [smem:$0x3FB2]  }
0x3d: {  	_ =	shalt  }
0x3e: {  	_ =	shalt  }
0x3f: {  	_ =	shalt  }
0x40: {  	_ =	shalt  }
0x41: {  	_ =	shalt  }
0x42: {  	_ =	shalt  }
0x43: {  	_ =	shalt  }
0x44: {  	_ =	shalt  }
0x45: {  	_ =	shalt  }
0x46: {  	_ =	shalt  }
0x47: {  	_ =	shalt  }
0x48: {  	_ =	shalt  }
0x49: {  	_ =	shalt  }
0x4a: {  	_ =	shalt  }
0x4b: {  	_ =	shalt  }
0x4c: {  	_ =	shalt  }
0x4d: {  	_ =	shalt  }
0x4e: {  	_ =	shalt  }
0x4f: {  	_ =	shalt  }
0x50: {  	_ =	shalt  }
0x51: {  	_ =	shalt  }
0x52: {  	_ =	shalt  }
0x53: {  	_ =	shalt  }
0x54: {  	_ =	shalt  }
0x55: {  	_ =	shalt  }
0x56: {  	_ =	shalt  }
0x57: {  	_ =	shalt  }
0x58: {  	_ =	shalt  }
0x59: {  	_ =	shalt  }
0x5a: {  	_ =	shalt  }
0x5b: {  	_ =	shalt  }
0x5c: {  	_ =	shalt  }
0x5d: {  	_ =	shalt  }
0x5e: {  	_ =	shalt  }
0x5f: {  	_ =	shalt  }
0x60: {  	_ =	shalt  }
0x61: {  	_ =	shalt  }
0x62: {  	_ =	shalt  }
0x63: {  	_ =	shalt  }
0x64: {  	_ =	shalt  }
0x65: {  	_ =	shalt  }
0x66: {  	_ =	shalt  }
0x67: {  	_ =	shalt  }
0x68: {  	_ =	shalt  }
0x69: {  	_ =	shalt  }
0x6a: {  	_ =	shalt  }
0x6b: {  	_ =	shalt  }
0x6c: {  	_ =	shalt  }
0x6d: {  	_ =	shalt  }
0x6e: {  	_ =	shalt  }
0x6f: {  	_ =	shalt  }
0x70: {  	_ =	shalt  }
0x71: {  	_ =	shalt  }
0x72: {  	_ =	shalt  }
0x73: {  	_ =	shalt  }
0x74: {  	_ =	shalt  }
0x75: {  	_ =	shalt  }
0x76: {  	_ =	shalt  }
0x77: {  	_ =	shalt  }
0x78: {  	_ =	shalt  }
0x79: {  	_ =	shalt  }
0x7a: {  	_ =	shalt  }
0x7b: {  	_ =	shalt  }
0x7c: {  	_ =	shalt  }
0x7d: {  	_ =	shalt  }
0x7e: {  	_ =	shalt  }
0x7f: {  	_ =	shalt  }
0x80: {  	_ =	shalt  }
0x81: {  	_ =	shalt  }
0x82: {  	_ =	shalt  }
0x83: {  	_ =	shalt  }
0x84: {  	_ =	shalt  }
0x85: {  	_ =	shalt  }
0x86: {  	_ =	shalt  }
0x87: {  	_ =	shalt  }
.Lfunc_end0:
.L_simem_size_0:
called_computation_lowered:
.L_overlay_start_0:
0x88: {  	s2 =	sld [smem:$0x3FD9]  }
0x89: {  	s3 =	sld [smem:$0x3FFE];
	_ =	sdelay $0x1  }
0x8a: {  	s1 =	srdreg.scid  }
0x8b: {  	s0 =	sand.u32 $0x1, s1  }
0x8c: {  	s17 =	sshll.u32 s0, $0xA;
	s2 =	sadd.s32 s3, s2  }
0x8d: {  	s2 =	sadd.s32 s2, s17  }
0x8e: {  	[smem:$0x3FBE] =	sst s2  }
0x8f: {  	_ = 	snop  }
0x90: {  	s2 =	sld [smem:$0x3FD0];
	(tm) =	ssettm $0x1  }
0x91: {  	s18 =	sld [smem:$0x3FFB];
	_ =	sdelay $0x3  }
0x92: {  	_ =	strace s18  }
0x93: {  	s3 =	sld [smem:$0x3FFC];
	_ =	sdelay $0x3  }
0x94: {  	_ =	strace s3  }
0x95: {  	s3 =	sld [smem:$0x3FFD];
	_ =	sdelay $0x3  }
0x96: {  	_ =	strace s3  }
0x97: {  	_ =	strace $0x8FFFFFFF  }
0x98: {  	s19 =	sld [smem:$0x3FDB];
	_ =	sdelay $0x1  }
0x99: {  	s4 =	simm.s32 $_scs_section_size  }
0x9a: {  	s5 =	simm.s32 $_size__tile_overlayer_lowered;
	s6 =	simm.s32 $_tile_overlayer_lowered  }
0x9b: {  	s22 =	simm.s32 $0x1BFF;
	s21 =	sshll.u32 s6, $0x1;
	s3 =	sadd.s32 s4, s19  }
0x9c: {  	s7 =	simm.s32 $0x0;
	s20 =	sshll.u32 s5, $0x1;
	s5 =	sadd.s32 s21, s3  }
0x9d: {  	[timem:s7], [sflag:s22] =	dma.local [hbm:s5], s20  }
0x9e: {  	_ =	swait.ge [sflag:s22], s20  }
0x9f: {  	s4 =	ssub.s32 $0x0, s20;
	[sflag:s22] =	ssyncset.done $0x0  }
0xa0: {  	[sflag:s22] =	ssyncadd.s32 s4;
	_ =	sdelay $0x1  }
0xa1: {  	s23 =	simm.s32 $0x1B8B  }
0xa2: {  	_ =	swait.ge [sflag:s23], $0x1  }
0xa3: {  	[sflag:s23] =	ssyncset.done $0x0  }
0xa4: {  	s25 =	simm.s32 $0x1B8E;
	s24 =	sld [smem:$0x3FFE];
	[sflag:s23] =	ssyncadd.s32 $0xFFFFFFFF  }
0xa5: {  	s26 =	simm.s32 $execute0_lowered;
	[smem:$0x3FD2] =	sst s25  }
0xa6: {  	s5 =	sshll.u32 s26, $0x1;
	_ =	strace $0x80000046;
	[dreg:$0x1] =	wrdreg $0xFFFFFFFF  }
0xa7: {  	s28 =	simm.s32 $_size_execute0_lowered;
	s3 =	sadd.s32 s3, s5;
	[dreg:$0x0] =	wrdreg $0x0  }
0xa8: {  	s5 =	sshll.u32 s28, $0x1;
	[dreg:$0x2] =	wrdreg s3  }
0xa9: {  	[dreg:$0x3] =	wrdreg s5  }
0xaa: {  	[dreg:$0x4] =	wrdreg $0xC0  }
0xab: {  	_ =	task [dreg:s7], $0x5FFFF  }
0xac: {  	[dreg:$0x1] =	wrdreg $0xFFFFFFFF  }
0xad: {  	[dreg:$0x0] =	wrdreg $0x60  }
0xae: {  	[dreg:$0x2] =	wrdreg s24  }
0xaf: {  	[dreg:$0x3] =	wrdreg s2  }
0xb0: {  	[dreg:$0x4] =	wrdreg $0x9  }
0xb1: {  	_ =	task.clear_ibuf [dreg:s7], $0x5FFFF;
	_ =	strace $0x90000046  }
0xb2: {  	s29 =	simm.s32 $0x9;
	_ =	strace $0x80000048  }
0xb3: {  	_ =	swait.ge [sflag:s29], $0x1  }
0xb4: {  	[sflag:s29] =	ssyncadd.s32 $0xFFFFFFFF  }
0xb5: {  	_ =	strace $0x90000048  }
0xb6: {  	_ =	sfence  }
0xb7: {  	s30 =	sld [smem:$0x0];
	_ =	sdelay $0x2  }
0xb8: {  	s31 =	sshll.u32 s1, $0xD;
	s1 =	sshrl.u32 s1, $0x2  }
0xb9: {  	s3 =	sand.u32 $0x4000, s31;
	s1 =	sadd.s32 s1, s30  }
0xba: {  	s0 =	sor.u32 s3, s0;
	s1 =	sshll.u32 s1, $0x11  }
0xbb: {  	s0 =	sor.u32 s1, s0  }
0xbc: {  	s0 =	sadd.s32 $0x8F2B, s0  }
0xbd: {  	[sflag:s0] =	ssyncadd.remote.s32 $0x1  }
0xbe: {  	_ =	sfence.sel $0xFFFF  }
0xbf: {  	[dreg:$0x0] =	wrdreg $0xFFFFFFFF;
	(pc) =	sbr.abs _section_cstart, $3  }
0xc0: {  	[dreg:$0x1] =	wrdreg $0xFFFFFFFF  }
0xc1: {  	_ =	task.clear_ibuf [dreg:s7], $0x2FFFF;
	_ =	strace $0x9FFFFFFF  }
0xc2: {  	(tm) =	ssettm $0x7FFFFFFF  }
0xc3: {  	_ =	shalt  }
tec
execute0_lowered:
.L_overlay_start_1:
0x0: {  	(tag) =	ssettag $0x1  }
0x1: {  	s1 =	srdreg.scid;
	s0 =	stileid.u32  }
0x2: {  	s6 =	sand.u32 $0x1, s1;
	s30 =	sshll.u32 s0, $0x1  }
0x3: {  	s5 =	rddreg [dreg:$0x0];
	s9 =	sor.u32 s6, s30  }
0x4: {  	s10 =	rddreg [dreg:$0x1];
	s2 =	simm.s32 $0x0;
	s3 =	smul.u32 $0x14, s9  }
0x5: {  	s7 =	simm.s32 $0x100;
	[smem:$0x7FF] =	sst s2  }
0x6: {  	s1 =	rddreg [dreg:$0x2];
	_ =	strace $0x80000047;
	s3 =	sadd.s32 s3, s5  }
0x7: {  	s11 =	ssub.s32 $0x2, s6;
	s4 =	sadd.s32 $0x29600, s3;
	s3 =	simm.s32 $0x2  }
0x8: {  	[tilespmem:s2], [sflag:$0x2] =	stream.linear.gather [hbm4b:s4+s2], $0xA0, $0x38;
	[tilespmem:$0x5100] =	vst v63  }
0x9: {  	s8 =	simm.s32 $0x1;
	s12 =	sshrl.u32 s11, $0x1;
	_ =	swait.ge [sflag:s3], $0xA0  }
0xa: {  	s6 =	simm.s32 $0xA0;
	s11 =	ssub.s32 s11, s12;
	[sflag:s3] =	ssyncset.done $0x0  }
0xb: {  	s5 =	sadd.s32 $0x1600, s5;
	s31 =	smax.u32 s11, $0x1;
	[sflag:s3] =	ssyncadd.s32 $0xFFFFFF60  }
0xc: {  	[tilespmem:s7], [sflag:$0x1] =	stream.indirect.gather [hbm4b:s5+s6], $0x80, s2, s6, $0xb8;
	[tilespmem:$0x5100] =	vst v63  }
0xd: {  	s9 =	smul.u32 $0xA00, s9;
	p0 =	sne.s32 s31, $0x1;
	_ =	swait.ge [sflag:s8], $0x5000  }
.Ltmp0:
0xe: {  	[sflag:s8] =	ssyncset.done $0x0;
	(pc) =	sbr.rel @!p0 .LBB2_2-.Ltmp0, $4  }
0xf: {  	s9 =	sadd.s32 s10, s9;
	[sflag:s8] =	ssyncadd.s32 $0xFFFFB000  }
0x10: {  	[hbm4b:s9+s2] =	stream.linear.scatter [tilespmem:s7], [sflag:$0x2], $0x5000, $0x38;
	[tilespmem:$0x5100] =	vst v63  }
0x11: {  	_ =	swait.ge [sflag:s3], $0x5000  }
0x12: {  	s10 =	sadd.s32 $0xFFFFFFFF, s31;
	[sflag:s3] =	ssyncset.done $0x0  }
.LBB2_1:
0x13: {  	p0 =	sne.s32 s10, $0x1;
	s10 =	sadd.s32 $0xFFFFFFFF, s10;
	[sflag:s3] =	ssyncadd.s32 $0xFFFFB000  }
0x14: {  	[tilespmem:s2], [sflag:$0x2] =	stream.linear.gather [hbm4b:s4+s2], $0xA0, $0x38;
	[tilespmem:$0x5100] =	vst v63  }
0x15: {  	_ =	swait.ge [sflag:s3], $0xA0  }
0x16: {  	[sflag:s3] =	ssyncset.done $0x0  }
0x17: {  	[sflag:s3] =	ssyncadd.s32 $0xFFFFFF60  }
0x18: {  	[tilespmem:s7], [sflag:$0x1] =	stream.indirect.gather [hbm4b:s5+s6], $0x80, s2, s6, $0xb8;
	[tilespmem:$0x5100] =	vst v63  }
0x19: {  	_ =	swait.ge [sflag:s8], $0x5000  }
.Ltmp1:
0x1a: {  	[sflag:s8] =	ssyncset.done $0x0;
	(pc) =	sbr.rel @p0 .LBB2_1-.Ltmp1, $4  }
0x1b: {  	[sflag:s8] =	ssyncadd.s32 $0xFFFFB000  }
0x1c: {  	[hbm4b:s9+s2] =	stream.linear.scatter [tilespmem:s7], [sflag:$0x2], $0x5000, $0x38;
	[tilespmem:$0x5100] =	vst v63  }
0x1d: {  	_ =	swait.ge [sflag:s3], $0x5000  }
0x1e: {  	[sflag:s3] =	ssyncset.done $0x0  }
.LBB2_2:
0x1f: {  	[sflag:s3] =	ssyncadd.s32 $0xFFFFB000  }
0x20: {  	_ =	sfence.sel $0x180000  }
0x21: {  	[bflag:$0x0] =	sbarrier.arrive $0xFFFF  }
0x22: {  	p0 =	sne.s32 s0, $0x0;
	_ =	strace $0x90000047  }
0x23: {  	s0 =	sadd.s32 @!p0 $0x100000, s1;
	[bflag:$0x2] =	sbarrier.arrive $0xFFFF  }
0x24: {  	[sflag:s0] =	ssyncadd.tile.s32 @!p0 $0x1;
	_ =	shalt  }
.Lfunc_end2:
_tile_overlayer_lowered:
.L_overlay_start_2:
0x25: {  	(tag) =	ssettag $0x2  }
0x26: {  	s0 =	rddreg [dreg:$0x0];
	s2 =	stileid.u32  }
0x27: {  	s1 =	rddreg [dreg:$0x1];
	p0 =	sne.s32 s2, $0x0  }
0x28: {  	s3 =	rddreg [dreg:$0x2];
	[bflag:$0x3] =	sbarrier.arrive $0xFFFF;
	s2 =	simm.s32 @!p0 $0x1C02  }
0x29: {  	[timem:s3], [sflag:s2] =	dma.local @!p0 [hbm:s0], s1  }
0x2a: {  	s0 =	simm.s32 @!p0 $0x2  }
0x2b: {  	_ =	swait.ge @!p0 [sflag:s0], s1  }
0x2c: {  	s1 =	ssub.s32 @!p0 $0x0, s1;
	[sflag:s0] =	ssyncset.done @!p0 $0x0  }
0x2d: {  	[sflag:s0] =	ssyncadd.s32 @!p0 s1  }
0x2e: {  	[bflag:$0x3] =	sbarrier.arrive $0xFFFF  }
0x2f: {  	_ =	shalt  }

</sc_bundles>
